<compile_context>
chip_gen: v7x
topology: tpu7x:2x2x1
jax: 0.10.2.dev20260603
libtpu: 0.0.44.dev20260713+nightly
codegen_flags: <defaults>
</compile_context>

<pallas_src>
import functools

import jax
import jax.numpy as jnp
from jax import lax
from jax.experimental import pallas as pl
from jax.experimental.pallas import tpu as pltpu
from jax.experimental.pallas import tpu_sc as plsc

N_NODES = 10000
N_EDGES = 320000
D = 128

NC = 2
NS = 16
NW = NC * NS

EPW = N_EDGES // NW
CH = 80
NCHUNK = EPW // CH
NPAIR = NCHUNK // 2

NPAD = 10240
RPT = NPAD // NS
RCOPIES = RPT // CH


def _sc_body(x_ref, src_ref, dst_ref, ones_ref, agg_out, cnt_out,
             src_a, src_b, dst_all, buf_a, buf_b, acc_sh, sem_a, sem_b):
    cid = lax.axis_index("c")
    sid = lax.axis_index("s")
    wid = cid * NS + sid

    zeros16 = jnp.zeros((16,), jnp.float32)

    def fill_zero(i, carry):
        for c in range(D // 16):
            buf_b[i, pl.ds(c * 16, 16)] = zeros16
        return carry

    lax.fori_loop(0, CH, fill_zero, 0)

    def zero_acc(j, carry):
        pltpu.sync_copy(buf_b, acc_sh.at[pl.ds(sid * RPT + j * CH, CH), :])
        return carry

    lax.fori_loop(0, RCOPIES, zero_acc, 0)
    pltpu.sync_copy(dst_ref.at[wid], dst_all)
    plsc.subcore_barrier()

    pltpu.sync_copy(src_ref.at[wid, 0], src_a)
    pltpu.async_copy(x_ref.at[src_a], buf_a, sem_a)

    def pair(j, carry):
        c0 = 2 * j
        c1 = 2 * j + 1
        pltpu.sync_copy(src_ref.at[wid, c1], src_b)
        pltpu.async_copy(x_ref.at[src_b], buf_b, sem_b)
        pltpu.make_async_copy(x_ref.at[src_a], buf_a, sem_a).wait()
        pltpu.sync_copy(buf_a, acc_sh.at[dst_all.at[c0]], add=True)
        pltpu.sync_copy(src_ref.at[wid, c1 + 1], src_a)
        pltpu.async_copy(x_ref.at[src_a], buf_a, sem_a)
        pltpu.make_async_copy(x_ref.at[src_b], buf_b, sem_b).wait()
        pltpu.sync_copy(buf_b, acc_sh.at[dst_all.at[c1]], add=True)
        return carry

    lax.fori_loop(0, NPAIR, pair, 0)
    pltpu.make_async_copy(x_ref.at[src_a], buf_a, sem_a).wait()
    pltpu.sync_copy(buf_a, acc_sh.at[dst_all.at[NCHUNK - 1]], add=True)

    plsc.subcore_barrier()

    def out_copy1(j, carry):
        base = sid * RPT + j * CH
        pltpu.sync_copy(acc_sh.at[pl.ds(base, CH), :],
                        agg_out.at[cid, pl.ds(base, CH), :])
        return carry

    lax.fori_loop(0, RCOPIES, out_copy1, 0)

    lax.fori_loop(0, CH, fill_zero, 0)
    lax.fori_loop(0, RCOPIES, zero_acc, 0)
    pltpu.sync_copy(ones_ref, buf_a)
    plsc.subcore_barrier()

    K2 = 5

    def chunk2(g, carry):
        for u in range(K2):
            pltpu.async_copy(buf_a, acc_sh.at[dst_all.at[g * K2 + u]], sem_a,
                             add=True)
        for u in range(K2):
            pltpu.make_async_copy(buf_a, acc_sh.at[dst_all.at[0]],
                                  sem_a).wait()
        return carry

    lax.fori_loop(0, NCHUNK // K2, chunk2, 0)
    plsc.subcore_barrier()

    def out_copy2(j, carry):
        base = sid * RPT + j * CH
        pltpu.sync_copy(acc_sh.at[pl.ds(base, CH), :],
                        cnt_out.at[cid, pl.ds(base, CH), :])
        return carry

    lax.fori_loop(0, RCOPIES, out_copy2, 0)


@functools.lru_cache(maxsize=1)
def _sc_agg():
    return functools.partial(
        pl.kernel,
        mesh=plsc.VectorSubcoreMesh(core_axis_name="c", subcore_axis_name="s",
                                    num_cores=NC, num_subcores=NS),
        out_type=(
            jax.ShapeDtypeStruct((NC, NPAD, D), jnp.float32),
            jax.ShapeDtypeStruct((NC, NPAD, D), jnp.float32),
        ),
        scratch_types=[
            pltpu.VMEM((CH,), jnp.int32),
            pltpu.VMEM((CH,), jnp.int32),
            pltpu.VMEM((NCHUNK, CH), jnp.int32),
            pltpu.VMEM((CH, D), jnp.float32),
            pltpu.VMEM((CH, D), jnp.float32),
            pltpu.VMEM_SHARED((NPAD, D), jnp.float32),
            pltpu.SemaphoreType.DMA,
            pltpu.SemaphoreType.DMA,
        ],
    )(_sc_body)


BM = 1000


_DN = (((1,), (1,)), ((), ()))


def _tc_pre_body(x_ref, w_ref, b_ref, o_ref):
    o_ref[...] = lax.dot_general(x_ref[...], w_ref[:, D:2 * D], _DN,
                                 preferred_element_type=jnp.float32,
                                 precision=lax.Precision.DEFAULT) + b_ref[...]


def _tc_pre(x, W, b2):
    return pl.pallas_call(
        _tc_pre_body,
        grid=(N_NODES // BM,),
        in_specs=[
            pl.BlockSpec((BM, D), lambda m: (m, 0)),
            pl.BlockSpec((D, 2 * D), lambda m: (0, 0)),
            pl.BlockSpec((1, D), lambda m: (0, 0)),
        ],
        out_specs=pl.BlockSpec((BM, D), lambda m: (m, 0)),
        out_shape=jax.ShapeDtypeStruct((N_NODES, D), jnp.float32),
    )(x, W, b2)


def _tc_body(p_ref, c_ref, xw_ref, w_ref, o_ref):
    pa = p_ref[0] + p_ref[1]
    cnt = c_ref[0, :, 0:1] + c_ref[1, :, 0:1]
    inv = jnp.where(cnt > 0, 1.0 / cnt, 0.0)
    h = pa * inv
    o_ref[...] = lax.dot_general(h, w_ref[:, 0:D], _DN,
                                 preferred_element_type=jnp.float32,
                                 precision=lax.Precision.DEFAULT) + xw_ref[...]


def _tc_linear(p, c, xw, W):
    return pl.pallas_call(
        _tc_body,
        grid=(N_NODES // BM,),
        in_specs=[
            pl.BlockSpec((NC, BM, D), lambda m: (0, m, 0)),
            pl.BlockSpec((NC, BM, D), lambda m: (0, m, 0)),
            pl.BlockSpec((BM, D), lambda m: (m, 0)),
            pl.BlockSpec((D, 2 * D), lambda m: (0, 0)),
        ],
        out_specs=pl.BlockSpec((BM, D), lambda m: (m, 0)),
        out_shape=jax.ShapeDtypeStruct((N_NODES, D), jnp.float32),
    )(p, c, xw, W)


def kernel(x, edge_index, W, b):
    src = edge_index[0].astype(jnp.int32).reshape(NW, NCHUNK, CH)
    dst = edge_index[1].astype(jnp.int32).reshape(NW, NCHUNK, CH)
    onesrow = jnp.zeros((CH, D), jnp.float32).at[:, 0].set(1.0)
    b2 = b.reshape(1, D)
    xw = _tc_pre(x, W, b2)
    p, c = _sc_agg()(x, src, dst, onesrow)
    return _tc_linear(p, c, xw, W)

# --- scband reference (transcript-rebuilt; emitter-appended) ---
"""Pipeline reference for scband-emma-sagelayer-15152644620657 (READ-ONLY COPY).

The authoritative reference and input builder live on the scoring server;
editing this copy changes nothing except your own understanding.
"""

import jax, jax.numpy as jnp
import numpy as np

N_NODES = 10000
N_EDGES = 320000
D_IN = 128
D_OUT = 128


def setup_inputs(seed: int = 0) -> dict:
    key = jax.random.key(seed)
    k1, k2, k3, k4 = jax.random.split(key, 4)
    x = jax.random.normal(k1, (N_NODES, D_IN), dtype=jnp.float32)
    edge_index = jax.random.randint(k2, (2, N_EDGES), 0, N_NODES, dtype=jnp.int64)
    # nn.Linear(in_channels*2, out_channels): W [out, 2*in], b [out]
    bound = 1.0 / np.sqrt(2 * D_IN)
    W = jax.random.uniform(k3, (D_OUT, 2 * D_IN), minval=-bound, maxval=bound, dtype=jnp.float32)
    b = jax.random.uniform(k4, (D_OUT,), minval=-bound, maxval=bound, dtype=jnp.float32)
    return {"x": x, "edge_index": edge_index, "W": W, "b": b}


def reference(x, edge_index, W, b):
    # EmmaSAGELayer.forward (single-device: route.apply is identity)
    # adj_t @ x : sparse row=dst, col=src -> gather at src, scatter-add at dst
    src = edge_index[0]
    dst = edge_index[1]
    _x = x
    msgs = jnp.take(x, src, axis=0)
    agg = jax.ops.segment_sum(msgs, dst, num_segments=N_NODES)
    # adj_t.sum(dim=1): per-dst-node neighbor count
    agg_n = jax.ops.segment_sum(jnp.ones((N_EDGES,), dtype=jnp.float32), dst, num_segments=N_NODES)
    # mean aggregation (EmmaSum with aggr='mean'): divide by degree, 0 where degree==0
    inv_w = jnp.where(agg_n == 0, 0.0, 1.0 / jnp.where(agg_n == 0, 1.0, agg_n))
    h = agg * inv_w[:, None]
    h = jnp.concatenate([h, _x], axis=-1)
    out = h @ W.T + b
    return out

if __name__ == "__main__":
    import jax
    _d = setup_inputs()
    print(jax.jit(kernel)(*tuple(_d.values())))

</pallas_src>

<mosaic_0001>
#map = affine_map<(d0, d1) -> (0, 0)>
#map1 = affine_map<(d0, d1) -> (0, 0, 0)>
module attributes {stable_mosaic.version = 14 : i64} {
  func.func @_sc_body(%arg0: i32, %arg1: i32, %arg2: memref<10000x128xf32, #tpu.memory_space<hbm>>, %arg3: memref<32x125x80xi32, #tpu.memory_space<hbm>>, %arg4: memref<32x125x80xi32, #tpu.memory_space<hbm>>, %arg5: memref<80x128xf32, #tpu.memory_space<hbm>>, %arg6: memref<2x10240x128xf32, #tpu.memory_space<hbm>>, %arg7: memref<2x10240x128xf32, #tpu.memory_space<hbm>>, %arg8: memref<80xi32, #tpu.memory_space<vmem>>, %arg9: memref<80xi32, #tpu.memory_space<vmem>>, %arg10: memref<125x80xi32, #tpu.memory_space<vmem>>, %arg11: memref<80x128xf32, #tpu.memory_space<vmem>>, %arg12: memref<80x128xf32, #tpu.memory_space<vmem>>, %arg13: memref<10240x128xf32, #tpu.memory_space<vmem_shared>>, %arg14: memref<!tpu.dma_semaphore, #tpu.memory_space<semaphore_mem>>, %arg15: memref<!tpu.dma_semaphore, #tpu.memory_space<semaphore_mem>>) attributes {dimension_semantics = [#tpu.dimension_semantics<core_parallel>, #tpu.dimension_semantics<subcore_parallel>], iteration_bounds = array<i64: 2, 16>, scalar_prefetch = 0 : i64, scratch_operands = 8 : i64, tpu.core_type = #tpu.core_type<sc_vector_subcore>, window_params = [{transform_indices = #map}, {transform_indices = #map1}, {transform_indices = #map1}, {transform_indices = #map}, {transform_indices = #map1}, {transform_indices = #map1}]} {
    %mul3A = arith.constant 16 : i32
    %mul3A_0 = arith.muli %arg0, %mul3A : i32
    %add3A = arith.addi %mul3A_0, %arg1 : i32
    %broadcast_in_dim3A = arith.constant 0.000000e+00 : f32
    %broadcast_in_dim3A_1 = vector.broadcast %broadcast_in_dim3A : f32 to vector<16xf32>
    %scan3A = arith.constant 0 : i32
    %scan3A_2 = arith.constant 0 : i32
    %scan3A_3 = arith.constant 80 : i32
    %scan3A_4 = arith.addi %scan3A_2, %scan3A_3 : i32
    %scan3A_5 = arith.constant 1 : i32
    scf.for %scan3A_57 = %scan3A_2 to %scan3A_4 step %scan3A_5  : i32 {
      %swap3A = arith.index_cast %scan3A_57 : i32 to index
      %swap3A_58 = arith.constant 0 : index
      %swap3A_59 = tpu.vector_load %arg12[%swap3A, %swap3A_58] {strides = array<i32>} : memref<80x128xf32, #tpu.memory_space<vmem>>, vector<1x16xf32>,
      %swap3A_60 = vector.shape_cast %swap3A_59 : vector<1x16xf32> to vector<16xf32>
      %swap3A_61 = vector.shape_cast %broadcast_in_dim3A_1 : vector<16xf32> to vector<1x16xf32>
      tpu.vector_store %arg12[%swap3A, %swap3A_58], %swap3A_61 {strides = array<i32>} : memref<80x128xf32, #tpu.memory_space<vmem>>, vector<1x16xf32>,
      %swap3A_62 = arith.index_cast %scan3A_57 : i32 to index
      %swap3A_63 = arith.constant 16 : index
      %swap3A_64 = tpu.vector_load %arg12[%swap3A_62, %swap3A_63] {strides = array<i32>} : memref<80x128xf32, #tpu.memory_space<vmem>>, vector<1x16xf32>,
      %swap3A_65 = vector.shape_cast %swap3A_64 : vector<1x16xf32> to vector<16xf32>
      %swap3A_66 = vector.shape_cast %broadcast_in_dim3A_1 : vector<16xf32> to vector<1x16xf32>
      tpu.vector_store %arg12[%swap3A_62, %swap3A_63], %swap3A_66 {strides = array<i32>} : memref<80x128xf32, #tpu.memory_space<vmem>>, vector<1x16xf32>,
      %swap3A_67 = arith.index_cast %scan3A_57 : i32 to index
      %swap3A_68 = arith.constant 32 : index
      %swap3A_69 = tpu.vector_load %arg12[%swap3A_67, %swap3A_68] {strides = array<i32>} : memref<80x128xf32, #tpu.memory_space<vmem>>, vector<1x16xf32>,
      %swap3A_70 = vector.shape_cast %swap3A_69 : vector<1x16xf32> to vector<16xf32>
      %swap3A_71 = vector.shape_cast %broadcast_in_dim3A_1 : vector<16xf32> to vector<1x16xf32>
      tpu.vector_store %arg12[%swap3A_67, %swap3A_68], %swap3A_71 {strides = array<i32>} : memref<80x128xf32, #tpu.memory_space<vmem>>, vector<1x16xf32>,
      %swap3A_72 = arith.index_cast %scan3A_57 : i32 to index
      %swap3A_73 = arith.constant 48 : index
      %swap3A_74 = tpu.vector_load %arg12[%swap3A_72, %swap3A_73] {strides = array<i32>} : memref<80x128xf32, #tpu.memory_space<vmem>>, vector<1x16xf32>,
      %swap3A_75 = vector.shape_cast %swap3A_74 : vector<1x16xf32> to vector<16xf32>
      %swap3A_76 = vector.shape_cast %broadcast_in_dim3A_1 : vector<16xf32> to vector<1x16xf32>
      tpu.vector_store %arg12[%swap3A_72, %swap3A_73], %swap3A_76 {strides = array<i32>} : memref<80x128xf32, #tpu.memory_space<vmem>>, vector<1x16xf32>,
      %swap3A_77 = arith.index_cast %scan3A_57 : i32 to index
      %swap3A_78 = arith.constant 64 : index
      %swap3A_79 = tpu.vector_load %arg12[%swap3A_77, %swap3A_78] {strides = array<i32>} : memref<80x128xf32, #tpu.memory_space<vmem>>, vector<1x16xf32>,
      %swap3A_80 = vector.shape_cast %swap3A_79 : vector<1x16xf32> to vector<16xf32>
      %swap3A_81 = vector.shape_cast %broadcast_in_dim3A_1 : vector<16xf32> to vector<1x16xf32>
      tpu.vector_store %arg12[%swap3A_77, %swap3A_78], %swap3A_81 {strides = array<i32>} : memref<80x128xf32, #tpu.memory_space<vmem>>, vector<1x16xf32>,
      %swap3A_82 = arith.index_cast %scan3A_57 : i32 to index
      %swap3A_83 = arith.constant 80 : index
      %swap3A_84 = tpu.vector_load %arg12[%swap3A_82, %swap3A_83] {strides = array<i32>} : memref<80x128xf32, #tpu.memory_space<vmem>>, vector<1x16xf32>,
      %swap3A_85 = vector.shape_cast %swap3A_84 : vector<1x16xf32> to vector<16xf32>
      %swap3A_86 = vector.shape_cast %broadcast_in_dim3A_1 : vector<16xf32> to vector<1x16xf32>
      tpu.vector_store %arg12[%swap3A_82, %swap3A_83], %swap3A_86 {strides = array<i32>} : memref<80x128xf32, #tpu.memory_space<vmem>>, vector<1x16xf32>,
      %swap3A_87 = arith.index_cast %scan3A_57 : i32 to index
      %swap3A_88 = arith.constant 96 : index
      %swap3A_89 = tpu.vector_load %arg12[%swap3A_87, %swap3A_88] {strides = array<i32>} : memref<80x128xf32, #tpu.memory_space<vmem>>, vector<1x16xf32>,
      %swap3A_90 = vector.shape_cast %swap3A_89 : vector<1x16xf32> to vector<16xf32>
      %swap3A_91 = vector.shape_cast %broadcast_in_dim3A_1 : vector<16xf32> to vector<1x16xf32>
      tpu.vector_store %arg12[%swap3A_87, %swap3A_88], %swap3A_91 {strides = array<i32>} : memref<80x128xf32, #tpu.memory_space<vmem>>, vector<1x16xf32>,
      %swap3A_92 = arith.index_cast %scan3A_57 : i32 to index
      %swap3A_93 = arith.constant 112 : index
      %swap3A_94 = tpu.vector_load %arg12[%swap3A_92, %swap3A_93] {strides = array<i32>} : memref<80x128xf32, #tpu.memory_space<vmem>>, vector<1x16xf32>,
      %swap3A_95 = vector.shape_cast %swap3A_94 : vector<1x16xf32> to vector<16xf32>
      %swap3A_96 = vector.shape_cast %broadcast_in_dim3A_1 : vector<16xf32> to vector<1x16xf32>
      tpu.vector_store %arg12[%swap3A_92, %swap3A_93], %swap3A_96 {strides = array<i32>} : memref<80x128xf32, #tpu.memory_space<vmem>>, vector<1x16xf32>,
    }
    %scan3A_6 = arith.constant 80 : i32
    %scan3A_7 = arith.constant 0 : i32
    %scan3A_8 = arith.constant 0 : i32
    %scan3A_9 = arith.constant 8 : i32
    %scan3A_10 = arith.addi %scan3A_8, %scan3A_9 : i32
    %scan3A_11 = arith.constant 1 : i32
    scf.for %scan3A_57 = %scan3A_8 to %scan3A_10 step %scan3A_11  : i32 {
      %mul3A_58 = arith.constant 640 : i32
      %mul3A_59 = arith.muli %arg1, %mul3A_58 : i32
      %mul3A_60 = arith.constant 80 : i32
      %mul3A_61 = arith.muli %scan3A_57, %mul3A_60 : i32
      %add3A_62 = arith.addi %mul3A_59, %mul3A_61 : i32
      "tpu.region"() ({
        %run_scoped3A_63 = tpu.sem_alloc : memref<!tpu.dma_semaphore, #tpu.memory_space<semaphore_mem>>
        %dma_start3A_64 = arith.constant 0 : i32
        %dma_start3A_65 = tpu.memref_slice %arg13[%add3A_62, %dma_start3A_64] : memref<10240x128xf32, #tpu.memory_space<vmem_shared>> -> memref<80x128xf32, #tpu.memory_space<vmem_shared>>
        %dma_start3A_66 = arith.constant 0 : i32
        %dma_start3A_67 = tpu.memref_slice %arg13[%add3A_62, %dma_start3A_66] : memref<10240x128xf32, #tpu.memory_space<vmem_shared>> -> memref<80x128xf32, #tpu.memory_space<vmem_shared>>
        tpu.enqueue_dma source(%arg12 : memref<80x128xf32, #tpu.memory_space<vmem>>) target(%dma_start3A_67 : memref<80x128xf32, #tpu.memory_space<vmem_shared>>) target_semaphore(%run_scoped3A_63 : memref<!tpu.dma_semaphore, #tpu.memory_space<semaphore_mem>>)
        %dma_wait3A_68 = arith.constant 0 : i32
        %dma_wait3A_69 = tpu.memref_slice %arg13[%add3A_62, %dma_wait3A_68] : memref<10240x128xf32, #tpu.memory_space<vmem_shared>> -> memref<80x128xf32, #tpu.memory_space<vmem_shared>>
        %dma_wait3A_70 = arith.constant 0 : i32
        %dma_wait3A_71 = tpu.memref_slice %arg13[%add3A_62, %dma_wait3A_70] : memref<10240x128xf32, #tpu.memory_space<vmem_shared>> -> memref<80x128xf32, #tpu.memory_space<vmem_shared>>
        tpu.wait_dma2 semaphore(%run_scoped3A_63 : memref<!tpu.dma_semaphore, #tpu.memory_space<semaphore_mem>>) src(%arg12 : memref<80x128xf32, #tpu.memory_space<vmem>>) dst(%dma_wait3A_71 : memref<80x128xf32, #tpu.memory_space<vmem_shared>>)
        tpu.yield
      }) : () -> ()
    }
    %scan3A_12 = arith.constant 8 : i32
    "tpu.region"() ({
      %run_scoped3A_57 = tpu.sem_alloc : memref<!tpu.dma_semaphore, #tpu.memory_space<semaphore_mem>>
      %dma_start3A_58 = arith.constant 0 : i32
      %dma_start3A_59 = arith.constant 0 : i32
      %dma_start3A_60 = tpu.memref_slice %arg4[%add3A, %dma_start3A_58, %dma_start3A_59] : memref<32x125x80xi32, #tpu.memory_space<hbm>> -> memref<1x125x80xi32, #tpu.memory_space<hbm>>
      %dma_start3A_61 = tpu.memref_squeeze %dma_start3A_60 : memref<1x125x80xi32, #tpu.memory_space<hbm>> -> memref<125x80xi32, #tpu.memory_space<hbm>>
      %dma_start3A_62 = arith.constant 0 : i32
      %dma_start3A_63 = arith.constant 0 : i32
      %dma_start3A_64 = tpu.memref_slice %arg4[%add3A, %dma_start3A_62, %dma_start3A_63] : memref<32x125x80xi32, #tpu.memory_space<hbm>> -> memref<1x125x80xi32, #tpu.memory_space<hbm>>
      %dma_start3A_65 = tpu.memref_squeeze %dma_start3A_64 : memref<1x125x80xi32, #tpu.memory_space<hbm>> -> memref<125x80xi32, #tpu.memory_space<hbm>>
      tpu.enqueue_dma source(%dma_start3A_65 : memref<125x80xi32, #tpu.memory_space<hbm>>) target(%arg10 : memref<125x80xi32, #tpu.memory_space<vmem>>) target_semaphore(%run_scoped3A_57 : memref<!tpu.dma_semaphore, #tpu.memory_space<semaphore_mem>>)
      %dma_wait3A_66 = arith.constant 0 : i32
      %dma_wait3A_67 = arith.constant 0 : i32
      %dma_wait3A_68 = tpu.memref_slice %arg4[%add3A, %dma_wait3A_66, %dma_wait3A_67] : memref<32x125x80xi32, #tpu.memory_space<hbm>> -> memref<1x125x80xi32, #tpu.memory_space<hbm>>
      %dma_wait3A_69 = tpu.memref_squeeze %dma_wait3A_68 : memref<1x125x80xi32, #tpu.memory_space<hbm>> -> memref<125x80xi32, #tpu.memory_space<hbm>>
      %dma_wait3A_70 = arith.constant 0 : i32
      %dma_wait3A_71 = arith.constant 0 : i32
      %dma_wait3A_72 = tpu.memref_slice %arg4[%add3A, %dma_wait3A_70, %dma_wait3A_71] : memref<32x125x80xi32, #tpu.memory_space<hbm>> -> memref<1x125x80xi32, #tpu.memory_space<hbm>>
      %dma_wait3A_73 = tpu.memref_squeeze %dma_wait3A_72 : memref<1x125x80xi32, #tpu.memory_space<hbm>> -> memref<125x80xi32, #tpu.memory_space<hbm>>
      tpu.wait_dma2 semaphore(%run_scoped3A_57 : memref<!tpu.dma_semaphore, #tpu.memory_space<semaphore_mem>>) src(%dma_wait3A_73 : memref<125x80xi32, #tpu.memory_space<hbm>>) dst(%arg10 : memref<125x80xi32, #tpu.memory_space<vmem>>)
      tpu.yield
    }) : () -> ()
    %barrier3A = arith.constant 0 : index
    tpu.barrier barrier_id(%barrier3A)
    %run_scoped3A = arith.constant 0 : i32
    "tpu.region"() ({
      %run_scoped3A_57 = tpu.sem_alloc : memref<!tpu.dma_semaphore, #tpu.memory_space<semaphore_mem>>
      %dma_start3A_58 = arith.constant 0 : i32
      %dma_start3A_59 = tpu.memref_slice %arg3[%add3A, %run_scoped3A, %dma_start3A_58] : memref<32x125x80xi32, #tpu.memory_space<hbm>> -> memref<1x1x80xi32, #tpu.memory_space<hbm>>
      %dma_start3A_60 = tpu.memref_squeeze %dma_start3A_59 : memref<1x1x80xi32, #tpu.memory_space<hbm>> -> memref<80xi32, #tpu.memory_space<hbm>>
      %dma_start3A_61 = arith.constant 0 : i32
      %dma_start3A_62 = tpu.memref_slice %arg3[%add3A, %run_scoped3A, %dma_start3A_61] : memref<32x125x80xi32, #tpu.memory_space<hbm>> -> memref<1x1x80xi32, #tpu.memory_space<hbm>>
      %dma_start3A_63 = tpu.memref_squeeze %dma_start3A_62 : memref<1x1x80xi32, #tpu.memory_space<hbm>> -> memref<80xi32, #tpu.memory_space<hbm>>
      tpu.enqueue_dma source(%dma_start3A_63 : memref<80xi32, #tpu.memory_space<hbm>>) target(%arg8 : memref<80xi32, #tpu.memory_space<vmem>>) target_semaphore(%run_scoped3A_57 : memref<!tpu.dma_semaphore, #tpu.memory_space<semaphore_mem>>)
      %dma_wait3A_64 = arith.constant 0 : i32
      %dma_wait3A_65 = tpu.memref_slice %arg3[%add3A, %run_scoped3A, %dma_wait3A_64] : memref<32x125x80xi32, #tpu.memory_space<hbm>> -> memref<1x1x80xi32, #tpu.memory_space<hbm>>
      %dma_wait3A_66 = tpu.memref_squeeze %dma_wait3A_65 : memref<1x1x80xi32, #tpu.memory_space<hbm>> -> memref<80xi32, #tpu.memory_space<hbm>>
      %dma_wait3A_67 = arith.constant 0 : i32
      %dma_wait3A_68 = tpu.memref_slice %arg3[%add3A, %run_scoped3A, %dma_wait3A_67] : memref<32x125x80xi32, #tpu.memory_space<hbm>> -> memref<1x1x80xi32, #tpu.memory_space<hbm>>
      %dma_wait3A_69 = tpu.memref_squeeze %dma_wait3A_68 : memref<1x1x80xi32, #tpu.memory_space<hbm>> -> memref<80xi32, #tpu.memory_space<hbm>>
      tpu.wait_dma2 semaphore(%run_scoped3A_57 : memref<!tpu.dma_semaphore, #tpu.memory_space<semaphore_mem>>) src(%dma_wait3A_69 : memref<80xi32, #tpu.memory_space<hbm>>) dst(%arg8 : memref<80xi32, #tpu.memory_space<vmem>>)
      tpu.yield
    }) : () -> ()
    %dma_start3A = arith.constant 0 : i32
    %dma_start3A_13 = arith.constant 0 : i32
    %dma_start3A_14 = tpu.memref_slice %arg2[%dma_start3A, %dma_start3A_13] : memref<10000x128xf32, #tpu.memory_space<hbm>> -> memref<10000x128xf32, #tpu.memory_space<hbm>>
    tpu.enqueue_indirect_dma source(%dma_start3A_14 : memref<10000x128xf32, #tpu.memory_space<hbm>>) target(%arg11 : memref<80x128xf32, #tpu.memory_space<vmem>>) offsets(%arg8 : memref<80xi32, #tpu.memory_space<vmem>>) semaphore(%arg14 : memref<!tpu.dma_semaphore, #tpu.memory_space<semaphore_mem>>)
    %scan3A_15 = arith.constant 0 : i32
    %scan3A_16 = arith.constant 0 : i32
    %scan3A_17 = arith.constant 62 : i32
    %scan3A_18 = arith.addi %scan3A_16, %scan3A_17 : i32
    %scan3A_19 = arith.constant 1 : i32
    scf.for %scan3A_57 = %scan3A_16 to %scan3A_18 step %scan3A_19  : i32 {
      %mul3A_58 = arith.constant 2 : i32
      %mul3A_59 = arith.muli %mul3A_58, %scan3A_57 : i32
      %mul3A_60 = arith.constant 2 : i32
      %mul3A_61 = arith.muli %mul3A_60, %scan3A_57 : i32
      %add3A_62 = arith.constant 1 : i32
      %add3A_63 = arith.addi %mul3A_61, %add3A_62 : i32
      "tpu.region"() ({
        %run_scoped3A_78 = tpu.sem_alloc : memref<!tpu.dma_semaphore, #tpu.memory_space<semaphore_mem>>
        %dma_start3A_79 = arith.constant 0 : i32
        %dma_start3A_80 = tpu.memref_slice %arg3[%add3A, %add3A_63, %dma_start3A_79] : memref<32x125x80xi32, #tpu.memory_space<hbm>> -> memref<1x1x80xi32, #tpu.memory_space<hbm>>
        %dma_start3A_81 = tpu.memref_squeeze %dma_start3A_80 : memref<1x1x80xi32, #tpu.memory_space<hbm>> -> memref<80xi32, #tpu.memory_space<hbm>>
        %dma_start3A_82 = arith.constant 0 : i32
        %dma_start3A_83 = tpu.memref_slice %arg3[%add3A, %add3A_63, %dma_start3A_82] : memref<32x125x80xi32, #tpu.memory_space<hbm>> -> memref<1x1x80xi32, #tpu.memory_space<hbm>>
        %dma_start3A_84 = tpu.memref_squeeze %dma_start3A_83 : memref<1x1x80xi32, #tpu.memory_space<hbm>> -> memref<80xi32, #tpu.memory_space<hbm>>
        tpu.enqueue_dma source(%dma_start3A_84 : memref<80xi32, #tpu.memory_space<hbm>>) target(%arg9 : memref<80xi32, #tpu.memory_space<vmem>>) target_semaphore(%run_scoped3A_78 : memref<!tpu.dma_semaphore, #tpu.memory_space<semaphore_mem>>)
        %dma_wait3A_85 = arith.constant 0 : i32
        %dma_wait3A_86 = tpu.memref_slice %arg3[%add3A, %add3A_63, %dma_wait3A_85] : memref<32x125x80xi32, #tpu.memory_space<hbm>> -> memref<1x1x80xi32, #tpu.memory_space<hbm>>
        %dma_wait3A_87 = tpu.memref_squeeze %dma_wait3A_86 : memref<1x1x80xi32, #tpu.memory_space<hbm>> -> memref<80xi32, #tpu.memory_space<hbm>>
        %dma_wait3A_88 = arith.constant 0 : i32
        %dma_wait3A_89 = tpu.memref_slice %arg3[%add3A, %add3A_63, %dma_wait3A_88] : memref<32x125x80xi32, #tpu.memory_space<hbm>> -> memref<1x1x80xi32, #tpu.memory_space<hbm>>
        %dma_wait3A_90 = tpu.memref_squeeze %dma_wait3A_89 : memref<1x1x80xi32, #tpu.memory_space<hbm>> -> memref<80xi32, #tpu.memory_space<hbm>>
        tpu.wait_dma2 semaphore(%run_scoped3A_78 : memref<!tpu.dma_semaphore, #tpu.memory_space<semaphore_mem>>) src(%dma_wait3A_90 : memref<80xi32, #tpu.memory_space<hbm>>) dst(%arg9 : memref<80xi32, #tpu.memory_space<vmem>>)
        tpu.yield
      }) : () -> ()
      %dma_start3A_64 = arith.constant 0 : i32
      %dma_start3A_65 = arith.constant 0 : i32
      %dma_start3A_66 = tpu.memref_slice %arg2[%dma_start3A_64, %dma_start3A_65] : memref<10000x128xf32, #tpu.memory_space<hbm>> -> memref<10000x128xf32, #tpu.memory_space<hbm>>
      tpu.enqueue_indirect_dma source(%dma_start3A_66 : memref<10000x128xf32, #tpu.memory_space<hbm>>) target(%arg12 : memref<80x128xf32, #tpu.memory_space<vmem>>) offsets(%arg9 : memref<80xi32, #tpu.memory_space<vmem>>) semaphore(%arg15 : memref<!tpu.dma_semaphore, #tpu.memory_space<semaphore_mem>>)
      %dma_wait3A_67 = arith.constant 0 : i32
      %dma_wait3A_68 = arith.constant 0 : i32
      %dma_wait3A_69 = tpu.memref_slice %arg2[%dma_wait3A_67, %dma_wait3A_68] : memref<10000x128xf32, #tpu.memory_space<hbm>> -> memref<10000x128xf32, #tpu.memory_space<hbm>>
      tpu.wait_indirect_dma semaphore(%arg14 : memref<!tpu.dma_semaphore, #tpu.memory_space<semaphore_mem>>) src(%dma_wait3A_69 : memref<10000x128xf32, #tpu.memory_space<hbm>>) dst(%arg11 : memref<80x128xf32, #tpu.memory_space<vmem>>)
      "tpu.region"() ({
        %run_scoped3A_78 = tpu.sem_alloc : memref<!tpu.dma_semaphore, #tpu.memory_space<semaphore_mem>>
        %dma_start3A_79 = arith.constant 0 : i32
        %dma_start3A_80 = tpu.memref_slice %arg10[%mul3A_59, %dma_start3A_79] : memref<125x80xi32, #tpu.memory_space<vmem>> -> memref<1x80xi32, #tpu.memory_space<vmem>>
        %dma_start3A_81 = tpu.memref_squeeze %dma_start3A_80 : memref<1x80xi32, #tpu.memory_space<vmem>> -> memref<80xi32, #tpu.memory_space<vmem>>
        %dma_start3A_82 = arith.constant 0 : i32
        %dma_start3A_83 = arith.constant 0 : i32
        %dma_start3A_84 = tpu.memref_slice %arg13[%dma_start3A_82, %dma_start3A_83] : memref<10240x128xf32, #tpu.memory_space<vmem_shared>> -> memref<10240x128xf32, #tpu.memory_space<vmem_shared>>
        tpu.enqueue_indirect_dma source(%arg11 : memref<80x128xf32, #tpu.memory_space<vmem>>) target(%dma_start3A_84 : memref<10240x128xf32, #tpu.memory_space<vmem_shared>>) offsets(%dma_start3A_81 : memref<80xi32, #tpu.memory_space<vmem>>) semaphore(%run_scoped3A_78 : memref<!tpu.dma_semaphore, #tpu.memory_space<semaphore_mem>>) {add = true}
        %dma_wait3A_85 = arith.constant 0 : i32
        %dma_wait3A_86 = tpu.memref_slice %arg10[%mul3A_59, %dma_wait3A_85] : memref<125x80xi32, #tpu.memory_space<vmem>> -> memref<1x80xi32, #tpu.memory_space<vmem>>
        %dma_wait3A_87 = tpu.memref_squeeze %dma_wait3A_86 : memref<1x80xi32, #tpu.memory_space<vmem>> -> memref<80xi32, #tpu.memory_space<vmem>>
        %dma_wait3A_88 = arith.constant 0 : i32
        %dma_wait3A_89 = arith.constant 0 : i32
        %dma_wait3A_90 = tpu.memref_slice %arg13[%dma_wait3A_88, %dma_wait3A_89] : memref<10240x128xf32, #tpu.memory_space<vmem_shared>> -> memref<10240x128xf32, #tpu.memory_space<vmem_shared>>
        tpu.wait_indirect_dma semaphore(%run_scoped3A_78 : memref<!tpu.dma_semaphore, #tpu.memory_space<semaphore_mem>>) src(%arg11 : memref<80x128xf32, #tpu.memory_space<vmem>>) dst(%dma_wait3A_90 : memref<10240x128xf32, #tpu.memory_space<vmem_shared>>)
        tpu.yield
      }) : () -> ()
      %add3A_70 = arith.constant 1 : i32
      %add3A_71 = arith.addi %add3A_63, %add3A_70 : i32
      "tpu.region"() ({
        %run_scoped3A_78 = tpu.sem_alloc : memref<!tpu.dma_semaphore, #tpu.memory_space<semaphore_mem>>
        %dma_start3A_79 = arith.constant 0 : i32
        %dma_start3A_80 = tpu.memref_slice %arg3[%add3A, %add3A_71, %dma_start3A_79] : memref<32x125x80xi32, #tpu.memory_space<hbm>> -> memref<1x1x80xi32, #tpu.memory_space<hbm>>
        %dma_start3A_81 = tpu.memref_squeeze %dma_start3A_80 : memref<1x1x80xi32, #tpu.memory_space<hbm>> -> memref<80xi32, #tpu.memory_space<hbm>>
        %dma_start3A_82 = arith.constant 0 : i32
        %dma_start3A_83 = tpu.memref_slice %arg3[%add3A, %add3A_71, %dma_start3A_82] : memref<32x125x80xi32, #tpu.memory_space<hbm>> -> memref<1x1x80xi32, #tpu.memory_space<hbm>>
        %dma_start3A_84 = tpu.memref_squeeze %dma_start3A_83 : memref<1x1x80xi32, #tpu.memory_space<hbm>> -> memref<80xi32, #tpu.memory_space<hbm>>
        tpu.enqueue_dma source(%dma_start3A_84 : memref<80xi32, #tpu.memory_space<hbm>>) target(%arg8 : memref<80xi32, #tpu.memory_space<vmem>>) target_semaphore(%run_scoped3A_78 : memref<!tpu.dma_semaphore, #tpu.memory_space<semaphore_mem>>)
        %dma_wait3A_85 = arith.constant 0 : i32
        %dma_wait3A_86 = tpu.memref_slice %arg3[%add3A, %add3A_71, %dma_wait3A_85] : memref<32x125x80xi32, #tpu.memory_space<hbm>> -> memref<1x1x80xi32, #tpu.memory_space<hbm>>
        %dma_wait3A_87 = tpu.memref_squeeze %dma_wait3A_86 : memref<1x1x80xi32, #tpu.memory_space<hbm>> -> memref<80xi32, #tpu.memory_space<hbm>>
        %dma_wait3A_88 = arith.constant 0 : i32
        %dma_wait3A_89 = tpu.memref_slice %arg3[%add3A, %add3A_71, %dma_wait3A_88] : memref<32x125x80xi32, #tpu.memory_space<hbm>> -> memref<1x1x80xi32, #tpu.memory_space<hbm>>
        %dma_wait3A_90 = tpu.memref_squeeze %dma_wait3A_89 : memref<1x1x80xi32, #tpu.memory_space<hbm>> -> memref<80xi32, #tpu.memory_space<hbm>>
        tpu.wait_dma2 semaphore(%run_scoped3A_78 : memref<!tpu.dma_semaphore, #tpu.memory_space<semaphore_mem>>) src(%dma_wait3A_90 : memref<80xi32, #tpu.memory_space<hbm>>) dst(%arg8 : memref<80xi32, #tpu.memory_space<vmem>>)
        tpu.yield
      }) : () -> ()
      %dma_start3A_72 = arith.constant 0 : i32
      %dma_start3A_73 = arith.constant 0 : i32
      %dma_start3A_74 = tpu.memref_slice %arg2[%dma_start3A_72, %dma_start3A_73] : memref<10000x128xf32, #tpu.memory_space<hbm>> -> memref<10000x128xf32, #tpu.memory_space<hbm>>
      tpu.enqueue_indirect_dma source(%dma_start3A_74 : memref<10000x128xf32, #tpu.memory_space<hbm>>) target(%arg11 : memref<80x128xf32, #tpu.memory_space<vmem>>) offsets(%arg8 : memref<80xi32, #tpu.memory_space<vmem>>) semaphore(%arg14 : memref<!tpu.dma_semaphore, #tpu.memory_space<semaphore_mem>>)
      %dma_wait3A_75 = arith.constant 0 : i32
      %dma_wait3A_76 = arith.constant 0 : i32
      %dma_wait3A_77 = tpu.memref_slice %arg2[%dma_wait3A_75, %dma_wait3A_76] : memref<10000x128xf32, #tpu.memory_space<hbm>> -> memref<10000x128xf32, #tpu.memory_space<hbm>>
      tpu.wait_indirect_dma semaphore(%arg15 : memref<!tpu.dma_semaphore, #tpu.memory_space<semaphore_mem>>) src(%dma_wait3A_77 : memref<10000x128xf32, #tpu.memory_space<hbm>>) dst(%arg12 : memref<80x128xf32, #tpu.memory_space<vmem>>)
      "tpu.region"() ({
        %run_scoped3A_78 = tpu.sem_alloc : memref<!tpu.dma_semaphore, #tpu.memory_space<semaphore_mem>>
        %dma_start3A_79 = arith.constant 0 : i32
        %dma_start3A_80 = tpu.memref_slice %arg10[%add3A_63, %dma_start3A_79] : memref<125x80xi32, #tpu.memory_space<vmem>> -> memref<1x80xi32, #tpu.memory_space<vmem>>
        %dma_start3A_81 = tpu.memref_squeeze %dma_start3A_80 : memref<1x80xi32, #tpu.memory_space<vmem>> -> memref<80xi32, #tpu.memory_space<vmem>>
        %dma_start3A_82 = arith.constant 0 : i32
        %dma_start3A_83 = arith.constant 0 : i32
        %dma_start3A_84 = tpu.memref_slice %arg13[%dma_start3A_82, %dma_start3A_83] : memref<10240x128xf32, #tpu.memory_space<vmem_shared>> -> memref<10240x128xf32, #tpu.memory_space<vmem_shared>>
        tpu.enqueue_indirect_dma source(%arg12 : memref<80x128xf32, #tpu.memory_space<vmem>>) target(%dma_start3A_84 : memref<10240x128xf32, #tpu.memory_space<vmem_shared>>) offsets(%dma_start3A_81 : memref<80xi32, #tpu.memory_space<vmem>>) semaphore(%run_scoped3A_78 : memref<!tpu.dma_semaphore, #tpu.memory_space<semaphore_mem>>) {add = true}
        %dma_wait3A_85 = arith.constant 0 : i32
        %dma_wait3A_86 = tpu.memref_slice %arg10[%add3A_63, %dma_wait3A_85] : memref<125x80xi32, #tpu.memory_space<vmem>> -> memref<1x80xi32, #tpu.memory_space<vmem>>
        %dma_wait3A_87 = tpu.memref_squeeze %dma_wait3A_86 : memref<1x80xi32, #tpu.memory_space<vmem>> -> memref<80xi32, #tpu.memory_space<vmem>>
        %dma_wait3A_88 = arith.constant 0 : i32
        %dma_wait3A_89 = arith.constant 0 : i32
        %dma_wait3A_90 = tpu.memref_slice %arg13[%dma_wait3A_88, %dma_wait3A_89] : memref<10240x128xf32, #tpu.memory_space<vmem_shared>> -> memref<10240x128xf32, #tpu.memory_space<vmem_shared>>
        tpu.wait_indirect_dma semaphore(%run_scoped3A_78 : memref<!tpu.dma_semaphore, #tpu.memory_space<semaphore_mem>>) src(%arg12 : memref<80x128xf32, #tpu.memory_space<vmem>>) dst(%dma_wait3A_90 : memref<10240x128xf32, #tpu.memory_space<vmem_shared>>)
        tpu.yield
      }) : () -> ()
    }
    %scan3A_20 = arith.constant 62 : i32
    %dma_wait3A = arith.constant 0 : i32
    %dma_wait3A_21 = arith.constant 0 : i32
    %dma_wait3A_22 = tpu.memref_slice %arg2[%dma_wait3A, %dma_wait3A_21] : memref<10000x128xf32, #tpu.memory_space<hbm>> -> memref<10000x128xf32, #tpu.memory_space<hbm>>
    tpu.wait_indirect_dma semaphore(%arg14 : memref<!tpu.dma_semaphore, #tpu.memory_space<semaphore_mem>>) src(%dma_wait3A_22 : memref<10000x128xf32, #tpu.memory_space<hbm>>) dst(%arg11 : memref<80x128xf32, #tpu.memory_space<vmem>>)
    %run_scoped3A_23 = arith.constant 124 : i32
    "tpu.region"() ({
      %run_scoped3A_57 = tpu.sem_alloc : memref<!tpu.dma_semaphore, #tpu.memory_space<semaphore_mem>>
      %dma_start3A_58 = arith.constant 0 : i32
      %dma_start3A_59 = tpu.memref_slice %arg10[%run_scoped3A_23, %dma_start3A_58] : memref<125x80xi32, #tpu.memory_space<vmem>> -> memref<1x80xi32, #tpu.memory_space<vmem>>
      %dma_start3A_60 = tpu.memref_squeeze %dma_start3A_59 : memref<1x80xi32, #tpu.memory_space<vmem>> -> memref<80xi32, #tpu.memory_space<vmem>>
      %dma_start3A_61 = arith.constant 0 : i32
      %dma_start3A_62 = arith.constant 0 : i32
      %dma_start3A_63 = tpu.memref_slice %arg13[%dma_start3A_61, %dma_start3A_62] : memref<10240x128xf32, #tpu.memory_space<vmem_shared>> -> memref<10240x128xf32, #tpu.memory_space<vmem_shared>>
      tpu.enqueue_indirect_dma source(%arg11 : memref<80x128xf32, #tpu.memory_space<vmem>>) target(%dma_start3A_63 : memref<10240x128xf32, #tpu.memory_space<vmem_shared>>) offsets(%dma_start3A_60 : memref<80xi32, #tpu.memory_space<vmem>>) semaphore(%run_scoped3A_57 : memref<!tpu.dma_semaphore, #tpu.memory_space<semaphore_mem>>) {add = true}
      %dma_wait3A_64 = arith.constant 0 : i32
      %dma_wait3A_65 = tpu.memref_slice %arg10[%run_scoped3A_23, %dma_wait3A_64] : memref<125x80xi32, #tpu.memory_space<vmem>> -> memref<1x80xi32, #tpu.memory_space<vmem>>
      %dma_wait3A_66 = tpu.memref_squeeze %dma_wait3A_65 : memref<1x80xi32, #tpu.memory_space<vmem>> -> memref<80xi32, #tpu.memory_space<vmem>>
      %dma_wait3A_67 = arith.constant 0 : i32
      %dma_wait3A_68 = arith.constant 0 : i32
      %dma_wait3A_69 = tpu.memref_slice %arg13[%dma_wait3A_67, %dma_wait3A_68] : memref<10240x128xf32, #tpu.memory_space<vmem_shared>> -> memref<10240x128xf32, #tpu.memory_space<vmem_shared>>
      tpu.wait_indirect_dma semaphore(%run_scoped3A_57 : memref<!tpu.dma_semaphore, #tpu.memory_space<semaphore_mem>>) src(%arg11 : memref<80x128xf32, #tpu.memory_space<vmem>>) dst(%dma_wait3A_69 : memref<10240x128xf32, #tpu.memory_space<vmem_shared>>)
      tpu.yield
    }) : () -> ()
    %barrier3A_24 = arith.constant 0 : index
    tpu.barrier barrier_id(%barrier3A_24)
    %scan3A_25 = arith.constant 0 : i32
    %scan3A_26 = arith.constant 0 : i32
    %scan3A_27 = arith.constant 8 : i32
    %scan3A_28 = arith.addi %scan3A_26, %scan3A_27 : i32
    %scan3A_29 = arith.constant 1 : i32
    scf.for %scan3A_57 = %scan3A_26 to %scan3A_28 step %scan3A_29  : i32 {
      %mul3A_58 = arith.constant 640 : i32
      %mul3A_59 = arith.muli %arg1, %mul3A_58 : i32
      %mul3A_60 = arith.constant 80 : i32
      %mul3A_61 = arith.muli %scan3A_57, %mul3A_60 : i32
      %add3A_62 = arith.addi %mul3A_59, %mul3A_61 : i32
      "tpu.region"() ({
        %run_scoped3A_63 = tpu.sem_alloc : memref<!tpu.dma_semaphore, #tpu.memory_space<semaphore_mem>>
        %dma_start3A_64 = arith.constant 0 : i32
        %dma_start3A_65 = tpu.memref_slice %arg6[%arg0, %add3A_62, %dma_start3A_64] : memref<2x10240x128xf32, #tpu.memory_space<hbm>> -> memref<1x80x128xf32, #tpu.memory_space<hbm>>
        %dma_start3A_66 = tpu.memref_squeeze %dma_start3A_65 : memref<1x80x128xf32, #tpu.memory_space<hbm>> -> memref<80x128xf32, #tpu.memory_space<hbm>>
        %dma_start3A_67 = arith.constant 0 : i32
        %dma_start3A_68 = tpu.memref_slice %arg13[%add3A_62, %dma_start3A_67] : memref<10240x128xf32, #tpu.memory_space<vmem_shared>> -> memref<80x128xf32, #tpu.memory_space<vmem_shared>>
        tpu.enqueue_dma source(%dma_start3A_68 : memref<80x128xf32, #tpu.memory_space<vmem_shared>>) target(%dma_start3A_66 : memref<80x128xf32, #tpu.memory_space<hbm>>) target_semaphore(%run_scoped3A_63 : memref<!tpu.dma_semaphore, #tpu.memory_space<semaphore_mem>>)
        %dma_wait3A_69 = arith.constant 0 : i32
        %dma_wait3A_70 = tpu.memref_slice %arg6[%arg0, %add3A_62, %dma_wait3A_69] : memref<2x10240x128xf32, #tpu.memory_space<hbm>> -> memref<1x80x128xf32, #tpu.memory_space<hbm>>
        %dma_wait3A_71 = tpu.memref_squeeze %dma_wait3A_70 : memref<1x80x128xf32, #tpu.memory_space<hbm>> -> memref<80x128xf32, #tpu.memory_space<hbm>>
        %dma_wait3A_72 = arith.constant 0 : i32
        %dma_wait3A_73 = tpu.memref_slice %arg13[%add3A_62, %dma_wait3A_72] : memref<10240x128xf32, #tpu.memory_space<vmem_shared>> -> memref<80x128xf32, #tpu.memory_space<vmem_shared>>
        tpu.wait_dma2 semaphore(%run_scoped3A_63 : memref<!tpu.dma_semaphore, #tpu.memory_space<semaphore_mem>>) src(%dma_wait3A_73 : memref<80x128xf32, #tpu.memory_space<vmem_shared>>) dst(%dma_wait3A_71 : memref<80x128xf32, #tpu.memory_space<hbm>>)
        tpu.yield
      }) : () -> ()
    }
    %scan3A_30 = arith.constant 8 : i32
    %scan3A_31 = arith.constant 0 : i32
    %scan3A_32 = arith.constant 0 : i32
    %scan3A_33 = arith.constant 80 : i32
    %scan3A_34 = arith.addi %scan3A_32, %scan3A_33 : i32
    %scan3A_35 = arith.constant 1 : i32
    scf.for %scan3A_57 = %scan3A_32 to %scan3A_34 step %scan3A_35  : i32 {
      %swap3A = arith.index_cast %scan3A_57 : i32 to index
      %swap3A_58 = arith.constant 0 : index
      %swap3A_59 = tpu.vector_load %arg12[%swap3A, %swap3A_58] {strides = array<i32>} : memref<80x128xf32, #tpu.memory_space<vmem>>, vector<1x16xf32>,
      %swap3A_60 = vector.shape_cast %swap3A_59 : vector<1x16xf32> to vector<16xf32>
      %swap3A_61 = vector.shape_cast %broadcast_in_dim3A_1 : vector<16xf32> to vector<1x16xf32>
      tpu.vector_store %arg12[%swap3A, %swap3A_58], %swap3A_61 {strides = array<i32>} : memref<80x128xf32, #tpu.memory_space<vmem>>, vector<1x16xf32>,
      %swap3A_62 = arith.index_cast %scan3A_57 : i32 to index
      %swap3A_63 = arith.constant 16 : index
      %swap3A_64 = tpu.vector_load %arg12[%swap3A_62, %swap3A_63] {strides = array<i32>} : memref<80x128xf32, #tpu.memory_space<vmem>>, vector<1x16xf32>,
      %swap3A_65 = vector.shape_cast %swap3A_64 : vector<1x16xf32> to vector<16xf32>
      %swap3A_66 = vector.shape_cast %broadcast_in_dim3A_1 : vector<16xf32> to vector<1x16xf32>
      tpu.vector_store %arg12[%swap3A_62, %swap3A_63], %swap3A_66 {strides = array<i32>} : memref<80x128xf32, #tpu.memory_space<vmem>>, vector<1x16xf32>,
      %swap3A_67 = arith.index_cast %scan3A_57 : i32 to index
      %swap3A_68 = arith.constant 32 : index
      %swap3A_69 = tpu.vector_load %arg12[%swap3A_67, %swap3A_68] {strides = array<i32>} : memref<80x128xf32, #tpu.memory_space<vmem>>, vector<1x16xf32>,
      %swap3A_70 = vector.shape_cast %swap3A_69 : vector<1x16xf32> to vector<16xf32>
      %swap3A_71 = vector.shape_cast %broadcast_in_dim3A_1 : vector<16xf32> to vector<1x16xf32>
      tpu.vector_store %arg12[%swap3A_67, %swap3A_68], %swap3A_71 {strides = array<i32>} : memref<80x128xf32, #tpu.memory_space<vmem>>, vector<1x16xf32>,
      %swap3A_72 = arith.index_cast %scan3A_57 : i32 to index
      %swap3A_73 = arith.constant 48 : index
      %swap3A_74 = tpu.vector_load %arg12[%swap3A_72, %swap3A_73] {strides = array<i32>} : memref<80x128xf32, #tpu.memory_space<vmem>>, vector<1x16xf32>,
      %swap3A_75 = vector.shape_cast %swap3A_74 : vector<1x16xf32> to vector<16xf32>
      %swap3A_76 = vector.shape_cast %broadcast_in_dim3A_1 : vector<16xf32> to vector<1x16xf32>
      tpu.vector_store %arg12[%swap3A_72, %swap3A_73], %swap3A_76 {strides = array<i32>} : memref<80x128xf32, #tpu.memory_space<vmem>>, vector<1x16xf32>,
      %swap3A_77 = arith.index_cast %scan3A_57 : i32 to index
      %swap3A_78 = arith.constant 64 : index
      %swap3A_79 = tpu.vector_load %arg12[%swap3A_77, %swap3A_78] {strides = array<i32>} : memref<80x128xf32, #tpu.memory_space<vmem>>, vector<1x16xf32>,
      %swap3A_80 = vector.shape_cast %swap3A_79 : vector<1x16xf32> to vector<16xf32>
      %swap3A_81 = vector.shape_cast %broadcast_in_dim3A_1 : vector<16xf32> to vector<1x16xf32>
      tpu.vector_store %arg12[%swap3A_77, %swap3A_78], %swap3A_81 {strides = array<i32>} : memref<80x128xf32, #tpu.memory_space<vmem>>, vector<1x16xf32>,
      %swap3A_82 = arith.index_cast %scan3A_57 : i32 to index
      %swap3A_83 = arith.constant 80 : index
      %swap3A_84 = tpu.vector_load %arg12[%swap3A_82, %swap3A_83] {strides = array<i32>} : memref<80x128xf32, #tpu.memory_space<vmem>>, vector<1x16xf32>,
      %swap3A_85 = vector.shape_cast %swap3A_84 : vector<1x16xf32> to vector<16xf32>
      %swap3A_86 = vector.shape_cast %broadcast_in_dim3A_1 : vector<16xf32> to vector<1x16xf32>
      tpu.vector_store %arg12[%swap3A_82, %swap3A_83], %swap3A_86 {strides = array<i32>} : memref<80x128xf32, #tpu.memory_space<vmem>>, vector<1x16xf32>,
      %swap3A_87 = arith.index_cast %scan3A_57 : i32 to index
      %swap3A_88 = arith.constant 96 : index
      %swap3A_89 = tpu.vector_load %arg12[%swap3A_87, %swap3A_88] {strides = array<i32>} : memref<80x128xf32, #tpu.memory_space<vmem>>, vector<1x16xf32>,
      %swap3A_90 = vector.shape_cast %swap3A_89 : vector<1x16xf32> to vector<16xf32>
      %swap3A_91 = vector.shape_cast %broadcast_in_dim3A_1 : vector<16xf32> to vector<1x16xf32>
      tpu.vector_store %arg12[%swap3A_87, %swap3A_88], %swap3A_91 {strides = array<i32>} : memref<80x128xf32, #tpu.memory_space<vmem>>, vector<1x16xf32>,
      %swap3A_92 = arith.index_cast %scan3A_57 : i32 to index
      %swap3A_93 = arith.constant 112 : index
      %swap3A_94 = tpu.vector_load %arg12[%swap3A_92, %swap3A_93] {strides = array<i32>} : memref<80x128xf32, #tpu.memory_space<vmem>>, vector<1x16xf32>,
      %swap3A_95 = vector.shape_cast %swap3A_94 : vector<1x16xf32> to vector<16xf32>
      %swap3A_96 = vector.shape_cast %broadcast_in_dim3A_1 : vector<16xf32> to vector<1x16xf32>
      tpu.vector_store %arg12[%swap3A_92, %swap3A_93], %swap3A_96 {strides = array<i32>} : memref<80x128xf32, #tpu.memory_space<vmem>>, vector<1x16xf32>,
    }
    %scan3A_36 = arith.constant 80 : i32
    %scan3A_37 = arith.constant 0 : i32
    %scan3A_38 = arith.constant 0 : i32
    %scan3A_39 = arith.constant 8 : i32
    %scan3A_40 = arith.addi %scan3A_38, %scan3A_39 : i32
    %scan3A_41 = arith.constant 1 : i32
    scf.for %scan3A_57 = %scan3A_38 to %scan3A_40 step %scan3A_41  : i32 {
      %mul3A_58 = arith.constant 640 : i32
      %mul3A_59 = arith.muli %arg1, %mul3A_58 : i32
      %mul3A_60 = arith.constant 80 : i32
      %mul3A_61 = arith.muli %scan3A_57, %mul3A_60 : i32
      %add3A_62 = arith.addi %mul3A_59, %mul3A_61 : i32
      "tpu.region"() ({
        %run_scoped3A_63 = tpu.sem_alloc : memref<!tpu.dma_semaphore, #tpu.memory_space<semaphore_mem>>
        %dma_start3A_64 = arith.constant 0 : i32
        %dma_start3A_65 = tpu.memref_slice %arg13[%add3A_62, %dma_start3A_64] : memref<10240x128xf32, #tpu.memory_space<vmem_shared>> -> memref<80x128xf32, #tpu.memory_space<vmem_shared>>
        %dma_start3A_66 = arith.constant 0 : i32
        %dma_start3A_67 = tpu.memref_slice %arg13[%add3A_62, %dma_start3A_66] : memref<10240x128xf32, #tpu.memory_space<vmem_shared>> -> memref<80x128xf32, #tpu.memory_space<vmem_shared>>
        tpu.enqueue_dma source(%arg12 : memref<80x128xf32, #tpu.memory_space<vmem>>) target(%dma_start3A_67 : memref<80x128xf32, #tpu.memory_space<vmem_shared>>) target_semaphore(%run_scoped3A_63 : memref<!tpu.dma_semaphore, #tpu.memory_space<semaphore_mem>>)
        %dma_wait3A_68 = arith.constant 0 : i32
        %dma_wait3A_69 = tpu.memref_slice %arg13[%add3A_62, %dma_wait3A_68] : memref<10240x128xf32, #tpu.memory_space<vmem_shared>> -> memref<80x128xf32, #tpu.memory_space<vmem_shared>>
        %dma_wait3A_70 = arith.constant 0 : i32
        %dma_wait3A_71 = tpu.memref_slice %arg13[%add3A_62, %dma_wait3A_70] : memref<10240x128xf32, #tpu.memory_space<vmem_shared>> -> memref<80x128xf32, #tpu.memory_space<vmem_shared>>
        tpu.wait_dma2 semaphore(%run_scoped3A_63 : memref<!tpu.dma_semaphore, #tpu.memory_space<semaphore_mem>>) src(%arg12 : memref<80x128xf32, #tpu.memory_space<vmem>>) dst(%dma_wait3A_71 : memref<80x128xf32, #tpu.memory_space<vmem_shared>>)
        tpu.yield
      }) : () -> ()
    }
    %scan3A_42 = arith.constant 8 : i32
    "tpu.region"() ({
      %run_scoped3A_57 = tpu.sem_alloc : memref<!tpu.dma_semaphore, #tpu.memory_space<semaphore_mem>>
      tpu.enqueue_dma source(%arg5 : memref<80x128xf32, #tpu.memory_space<hbm>>) target(%arg11 : memref<80x128xf32, #tpu.memory_space<vmem>>) target_semaphore(%run_scoped3A_57 : memref<!tpu.dma_semaphore, #tpu.memory_space<semaphore_mem>>)
      tpu.wait_dma2 semaphore(%run_scoped3A_57 : memref<!tpu.dma_semaphore, #tpu.memory_space<semaphore_mem>>) src(%arg5 : memref<80x128xf32, #tpu.memory_space<hbm>>) dst(%arg11 : memref<80x128xf32, #tpu.memory_space<vmem>>)
      tpu.yield
    }) : () -> ()
    %barrier3A_43 = arith.constant 0 : index
    tpu.barrier barrier_id(%barrier3A_43)
    %scan3A_44 = arith.constant 0 : i32
    %scan3A_45 = arith.constant 0 : i32
    %scan3A_46 = arith.constant 25 : i32
    %scan3A_47 = arith.addi %scan3A_45, %scan3A_46 : i32
    %scan3A_48 = arith.constant 1 : i32
    scf.for %scan3A_57 = %scan3A_45 to %scan3A_47 step %scan3A_48  : i32 {
      %mul3A_58 = arith.constant 5 : i32
      %mul3A_59 = arith.muli %scan3A_57, %mul3A_58 : i32
      %add3A_60 = arith.constant 0 : i32
      %add3A_61 = arith.addi %mul3A_59, %add3A_60 : i32
      %dma_start3A_62 = arith.constant 0 : i32
      %dma_start3A_63 = tpu.memref_slice %arg10[%add3A_61, %dma_start3A_62] : memref<125x80xi32, #tpu.memory_space<vmem>> -> memref<1x80xi32, #tpu.memory_space<vmem>>
      %dma_start3A_64 = tpu.memref_squeeze %dma_start3A_63 : memref<1x80xi32, #tpu.memory_space<vmem>> -> memref<80xi32, #tpu.memory_space<vmem>>
      %dma_start3A_65 = arith.constant 0 : i32
      %dma_start3A_66 = arith.constant 0 : i32
      %dma_start3A_67 = tpu.memref_slice %arg13[%dma_start3A_65, %dma_start3A_66] : memref<10240x128xf32, #tpu.memory_space<vmem_shared>> -> memref<10240x128xf32, #tpu.memory_space<vmem_shared>>
      tpu.enqueue_indirect_dma source(%arg11 : memref<80x128xf32, #tpu.memory_space<vmem>>) target(%dma_start3A_67 : memref<10240x128xf32, #tpu.memory_space<vmem_shared>>) offsets(%dma_start3A_64 : memref<80xi32, #tpu.memory_space<vmem>>) semaphore(%arg14 : memref<!tpu.dma_semaphore, #tpu.memory_space<semaphore_mem>>) {add = true}
      %mul3A_68 = arith.constant 5 : i32
      %mul3A_69 = arith.muli %scan3A_57, %mul3A_68 : i32
      %add3A_70 = arith.constant 1 : i32
      %add3A_71 = arith.addi %mul3A_69, %add3A_70 : i32
      %dma_start3A_72 = arith.constant 0 : i32
      %dma_start3A_73 = tpu.memref_slice %arg10[%add3A_71, %dma_start3A_72] : memref<125x80xi32, #tpu.memory_space<vmem>> -> memref<1x80xi32, #tpu.memory_space<vmem>>
      %dma_start3A_74 = tpu.memref_squeeze %dma_start3A_73 : memref<1x80xi32, #tpu.memory_space<vmem>> -> memref<80xi32, #tpu.memory_space<vmem>>
      %dma_start3A_75 = arith.constant 0 : i32
      %dma_start3A_76 = arith.constant 0 : i32
      %dma_start3A_77 = tpu.memref_slice %arg13[%dma_start3A_75, %dma_start3A_76] : memref<10240x128xf32, #tpu.memory_space<vmem_shared>> -> memref<10240x128xf32, #tpu.memory_space<vmem_shared>>
      tpu.enqueue_indirect_dma source(%arg11 : memref<80x128xf32, #tpu.memory_space<vmem>>) target(%dma_start3A_77 : memref<10240x128xf32, #tpu.memory_space<vmem_shared>>) offsets(%dma_start3A_74 : memref<80xi32, #tpu.memory_space<vmem>>) semaphore(%arg14 : memref<!tpu.dma_semaphore, #tpu.memory_space<semaphore_mem>>) {add = true}
      %mul3A_78 = arith.constant 5 : i32
      %mul3A_79 = arith.muli %scan3A_57, %mul3A_78 : i32
      %add3A_80 = arith.constant 2 : i32
      %add3A_81 = arith.addi %mul3A_79, %add3A_80 : i32
      %dma_start3A_82 = arith.constant 0 : i32
      %dma_start3A_83 = tpu.memref_slice %arg10[%add3A_81, %dma_start3A_82] : memref<125x80xi32, #tpu.memory_space<vmem>> -> memref<1x80xi32, #tpu.memory_space<vmem>>
      %dma_start3A_84 = tpu.memref_squeeze %dma_start3A_83 : memref<1x80xi32, #tpu.memory_space<vmem>> -> memref<80xi32, #tpu.memory_space<vmem>>
      %dma_start3A_85 = arith.constant 0 : i32
      %dma_start3A_86 = arith.constant 0 : i32
      %dma_start3A_87 = tpu.memref_slice %arg13[%dma_start3A_85, %dma_start3A_86] : memref<10240x128xf32, #tpu.memory_space<vmem_shared>> -> memref<10240x128xf32, #tpu.memory_space<vmem_shared>>
      tpu.enqueue_indirect_dma source(%arg11 : memref<80x128xf32, #tpu.memory_space<vmem>>) target(%dma_start3A_87 : memref<10240x128xf32, #tpu.memory_space<vmem_shared>>) offsets(%dma_start3A_84 : memref<80xi32, #tpu.memory_space<vmem>>) semaphore(%arg14 : memref<!tpu.dma_semaphore, #tpu.memory_space<semaphore_mem>>) {add = true}
      %mul3A_88 = arith.constant 5 : i32
      %mul3A_89 = arith.muli %scan3A_57, %mul3A_88 : i32
      %add3A_90 = arith.constant 3 : i32
      %add3A_91 = arith.addi %mul3A_89, %add3A_90 : i32
      %dma_start3A_92 = arith.constant 0 : i32
      %dma_start3A_93 = tpu.memref_slice %arg10[%add3A_91, %dma_start3A_92] : memref<125x80xi32, #tpu.memory_space<vmem>> -> memref<1x80xi32, #tpu.memory_space<vmem>>
      %dma_start3A_94 = tpu.memref_squeeze %dma_start3A_93 : memref<1x80xi32, #tpu.memory_space<vmem>> -> memref<80xi32, #tpu.memory_space<vmem>>
      %dma_start3A_95 = arith.constant 0 : i32
      %dma_start3A_96 = arith.constant 0 : i32
      %dma_start3A_97 = tpu.memref_slice %arg13[%dma_start3A_95, %dma_start3A_96] : memref<10240x128xf32, #tpu.memory_space<vmem_shared>> -> memref<10240x128xf32, #tpu.memory_space<vmem_shared>>
      tpu.enqueue_indirect_dma source(%arg11 : memref<80x128xf32, #tpu.memory_space<vmem>>) target(%dma_start3A_97 : memref<10240x128xf32, #tpu.memory_space<vmem_shared>>) offsets(%dma_start3A_94 : memref<80xi32, #tpu.memory_space<vmem>>) semaphore(%arg14 : memref<!tpu.dma_semaphore, #tpu.memory_space<semaphore_mem>>) {add = true}
      %mul3A_98 = arith.constant 5 : i32
      %mul3A_99 = arith.muli %scan3A_57, %mul3A_98 : i32
      %add3A_100 = arith.constant 4 : i32
      %add3A_101 = arith.addi %mul3A_99, %add3A_100 : i32
      %dma_start3A_102 = arith.constant 0 : i32
      %dma_start3A_103 = tpu.memref_slice %arg10[%add3A_101, %dma_start3A_102] : memref<125x80xi32, #tpu.memory_space<vmem>> -> memref<1x80xi32, #tpu.memory_space<vmem>>
      %dma_start3A_104 = tpu.memref_squeeze %dma_start3A_103 : memref<1x80xi32, #tpu.memory_space<vmem>> -> memref<80xi32, #tpu.memory_space<vmem>>
      %dma_start3A_105 = arith.constant 0 : i32
      %dma_start3A_106 = arith.constant 0 : i32
      %dma_start3A_107 = tpu.memref_slice %arg13[%dma_start3A_105, %dma_start3A_106] : memref<10240x128xf32, #tpu.memory_space<vmem_shared>> -> memref<10240x128xf32, #tpu.memory_space<vmem_shared>>
      tpu.enqueue_indirect_dma source(%arg11 : memref<80x128xf32, #tpu.memory_space<vmem>>) target(%dma_start3A_107 : memref<10240x128xf32, #tpu.memory_space<vmem_shared>>) offsets(%dma_start3A_104 : memref<80xi32, #tpu.memory_space<vmem>>) semaphore(%arg14 : memref<!tpu.dma_semaphore, #tpu.memory_space<semaphore_mem>>) {add = true}
      %dma_wait3A_108 = arith.constant 0 : i32
      %dma_wait3A_109 = arith.constant 0 : i32
      %dma_wait3A_110 = tpu.memref_slice %arg10[%dma_wait3A_108, %dma_wait3A_109] : memref<125x80xi32, #tpu.memory_space<vmem>> -> memref<1x80xi32, #tpu.memory_space<vmem>>
      %dma_wait3A_111 = tpu.memref_squeeze %dma_wait3A_110 : memref<1x80xi32, #tpu.memory_space<vmem>> -> memref<80xi32, #tpu.memory_space<vmem>>
      %dma_wait3A_112 = arith.constant 0 : i32
      %dma_wait3A_113 = arith.constant 0 : i32
      %dma_wait3A_114 = tpu.memref_slice %arg13[%dma_wait3A_112, %dma_wait3A_113] : memref<10240x128xf32, #tpu.memory_space<vmem_shared>> -> memref<10240x128xf32, #tpu.memory_space<vmem_shared>>
      tpu.wait_indirect_dma semaphore(%arg14 : memref<!tpu.dma_semaphore, #tpu.memory_space<semaphore_mem>>) src(%arg11 : memref<80x128xf32, #tpu.memory_space<vmem>>) dst(%dma_wait3A_114 : memref<10240x128xf32, #tpu.memory_space<vmem_shared>>)
      %dma_wait3A_115 = arith.constant 0 : i32
      %dma_wait3A_116 = arith.constant 0 : i32
      %dma_wait3A_117 = tpu.memref_slice %arg10[%dma_wait3A_115, %dma_wait3A_116] : memref<125x80xi32, #tpu.memory_space<vmem>> -> memref<1x80xi32, #tpu.memory_space<vmem>>
      %dma_wait3A_118 = tpu.memref_squeeze %dma_wait3A_117 : memref<1x80xi32, #tpu.memory_space<vmem>> -> memref<80xi32, #tpu.memory_space<vmem>>
      %dma_wait3A_119 = arith.constant 0 : i32
      %dma_wait3A_120 = arith.constant 0 : i32
      %dma_wait3A_121 = tpu.memref_slice %arg13[%dma_wait3A_119, %dma_wait3A_120] : memref<10240x128xf32, #tpu.memory_space<vmem_shared>> -> memref<10240x128xf32, #tpu.memory_space<vmem_shared>>
      tpu.wait_indirect_dma semaphore(%arg14 : memref<!tpu.dma_semaphore, #tpu.memory_space<semaphore_mem>>) src(%arg11 : memref<80x128xf32, #tpu.memory_space<vmem>>) dst(%dma_wait3A_121 : memref<10240x128xf32, #tpu.memory_space<vmem_shared>>)
      %dma_wait3A_122 = arith.constant 0 : i32
      %dma_wait3A_123 = arith.constant 0 : i32
      %dma_wait3A_124 = tpu.memref_slice %arg10[%dma_wait3A_122, %dma_wait3A_123] : memref<125x80xi32, #tpu.memory_space<vmem>> -> memref<1x80xi32, #tpu.memory_space<vmem>>
      %dma_wait3A_125 = tpu.memref_squeeze %dma_wait3A_124 : memref<1x80xi32, #tpu.memory_space<vmem>> -> memref<80xi32, #tpu.memory_space<vmem>>
      %dma_wait3A_126 = arith.constant 0 : i32
      %dma_wait3A_127 = arith.constant 0 : i32
      %dma_wait3A_128 = tpu.memref_slice %arg13[%dma_wait3A_126, %dma_wait3A_127] : memref<10240x128xf32, #tpu.memory_space<vmem_shared>> -> memref<10240x128xf32, #tpu.memory_space<vmem_shared>>
      tpu.wait_indirect_dma semaphore(%arg14 : memref<!tpu.dma_semaphore, #tpu.memory_space<semaphore_mem>>) src(%arg11 : memref<80x128xf32, #tpu.memory_space<vmem>>) dst(%dma_wait3A_128 : memref<10240x128xf32, #tpu.memory_space<vmem_shared>>)
      %dma_wait3A_129 = arith.constant 0 : i32
      %dma_wait3A_130 = arith.constant 0 : i32
      %dma_wait3A_131 = tpu.memref_slice %arg10[%dma_wait3A_129, %dma_wait3A_130] : memref<125x80xi32, #tpu.memory_space<vmem>> -> memref<1x80xi32, #tpu.memory_space<vmem>>
      %dma_wait3A_132 = tpu.memref_squeeze %dma_wait3A_131 : memref<1x80xi32, #tpu.memory_space<vmem>> -> memref<80xi32, #tpu.memory_space<vmem>>
      %dma_wait3A_133 = arith.constant 0 : i32
      %dma_wait3A_134 = arith.constant 0 : i32
      %dma_wait3A_135 = tpu.memref_slice %arg13[%dma_wait3A_133, %dma_wait3A_134] : memref<10240x128xf32, #tpu.memory_space<vmem_shared>> -> memref<10240x128xf32, #tpu.memory_space<vmem_shared>>
      tpu.wait_indirect_dma semaphore(%arg14 : memref<!tpu.dma_semaphore, #tpu.memory_space<semaphore_mem>>) src(%arg11 : memref<80x128xf32, #tpu.memory_space<vmem>>) dst(%dma_wait3A_135 : memref<10240x128xf32, #tpu.memory_space<vmem_shared>>)
      %dma_wait3A_136 = arith.constant 0 : i32
      %dma_wait3A_137 = arith.constant 0 : i32
      %dma_wait3A_138 = tpu.memref_slice %arg10[%dma_wait3A_136, %dma_wait3A_137] : memref<125x80xi32, #tpu.memory_space<vmem>> -> memref<1x80xi32, #tpu.memory_space<vmem>>
      %dma_wait3A_139 = tpu.memref_squeeze %dma_wait3A_138 : memref<1x80xi32, #tpu.memory_space<vmem>> -> memref<80xi32, #tpu.memory_space<vmem>>
      %dma_wait3A_140 = arith.constant 0 : i32
      %dma_wait3A_141 = arith.constant 0 : i32
      %dma_wait3A_142 = tpu.memref_slice %arg13[%dma_wait3A_140, %dma_wait3A_141] : memref<10240x128xf32, #tpu.memory_space<vmem_shared>> -> memref<10240x128xf32, #tpu.memory_space<vmem_shared>>
      tpu.wait_indirect_dma semaphore(%arg14 : memref<!tpu.dma_semaphore, #tpu.memory_space<semaphore_mem>>) src(%arg11 : memref<80x128xf32, #tpu.memory_space<vmem>>) dst(%dma_wait3A_142 : memref<10240x128xf32, #tpu.memory_space<vmem_shared>>)
    }
    %scan3A_49 = arith.constant 25 : i32
    %barrier3A_50 = arith.constant 0 : index
    tpu.barrier barrier_id(%barrier3A_50)
    %scan3A_51 = arith.constant 0 : i32
    %scan3A_52 = arith.constant 0 : i32
    %scan3A_53 = arith.constant 8 : i32
    %scan3A_54 = arith.addi %scan3A_52, %scan3A_53 : i32
    %scan3A_55 = arith.constant 1 : i32
    scf.for %scan3A_57 = %scan3A_52 to %scan3A_54 step %scan3A_55  : i32 {
      %mul3A_58 = arith.constant 640 : i32
      %mul3A_59 = arith.muli %arg1, %mul3A_58 : i32
      %mul3A_60 = arith.constant 80 : i32
      %mul3A_61 = arith.muli %scan3A_57, %mul3A_60 : i32
      %add3A_62 = arith.addi %mul3A_59, %mul3A_61 : i32
      "tpu.region"() ({
        %run_scoped3A_63 = tpu.sem_alloc : memref<!tpu.dma_semaphore, #tpu.memory_space<semaphore_mem>>
        %dma_start3A_64 = arith.constant 0 : i32
        %dma_start3A_65 = tpu.memref_slice %arg7[%arg0, %add3A_62, %dma_start3A_64] : memref<2x10240x128xf32, #tpu.memory_space<hbm>> -> memref<1x80x128xf32, #tpu.memory_space<hbm>>
        %dma_start3A_66 = tpu.memref_squeeze %dma_start3A_65 : memref<1x80x128xf32, #tpu.memory_space<hbm>> -> memref<80x128xf32, #tpu.memory_space<hbm>>
        %dma_start3A_67 = arith.constant 0 : i32
        %dma_start3A_68 = tpu.memref_slice %arg13[%add3A_62, %dma_start3A_67] : memref<10240x128xf32, #tpu.memory_space<vmem_shared>> -> memref<80x128xf32, #tpu.memory_space<vmem_shared>>
        tpu.enqueue_dma source(%dma_start3A_68 : memref<80x128xf32, #tpu.memory_space<vmem_shared>>) target(%dma_start3A_66 : memref<80x128xf32, #tpu.memory_space<hbm>>) target_semaphore(%run_scoped3A_63 : memref<!tpu.dma_semaphore, #tpu.memory_space<semaphore_mem>>)
        %dma_wait3A_69 = arith.constant 0 : i32
        %dma_wait3A_70 = tpu.memref_slice %arg7[%arg0, %add3A_62, %dma_wait3A_69] : memref<2x10240x128xf32, #tpu.memory_space<hbm>> -> memref<1x80x128xf32, #tpu.memory_space<hbm>>
        %dma_wait3A_71 = tpu.memref_squeeze %dma_wait3A_70 : memref<1x80x128xf32, #tpu.memory_space<hbm>> -> memref<80x128xf32, #tpu.memory_space<hbm>>
        %dma_wait3A_72 = arith.constant 0 : i32
        %dma_wait3A_73 = tpu.memref_slice %arg13[%add3A_62, %dma_wait3A_72] : memref<10240x128xf32, #tpu.memory_space<vmem_shared>> -> memref<80x128xf32, #tpu.memory_space<vmem_shared>>
        tpu.wait_dma2 semaphore(%run_scoped3A_63 : memref<!tpu.dma_semaphore, #tpu.memory_space<semaphore_mem>>) src(%dma_wait3A_73 : memref<80x128xf32, #tpu.memory_space<vmem_shared>>) dst(%dma_wait3A_71 : memref<80x128xf32, #tpu.memory_space<hbm>>)
        tpu.yield
      }) : () -> ()
    }
    %scan3A_56 = arith.constant 8 : i32
    return
  }
}

module attributes {stable_mosaic.version = 14 : i64} {
  func.func @_tc_pre_body(%arg0: i32, %arg1: memref<1000x128xf32, #tpu.memory_space<vmem>>, %arg2: memref<128x256xf32, #tpu.memory_space<vmem>>, %arg3: memref<1x128xf32, #tpu.memory_space<vmem>>, %arg4: memref<1000x128xf32, #tpu.memory_space<vmem>>) attributes {dimension_semantics = [#tpu.dimension_semantics<arbitrary>], iteration_bounds = array<i64: 10>, scalar_prefetch = 0 : i64, scratch_operands = 0 : i64, tpu.core_type = #tpu.core_type<tc>, window_params = [{transform_indices = @transform_0, window_bounds = array<i64: 1000, 128>}, {pipeline_mode = #tpu.pipeline_mode<synchronous>, transform_indices = @transform_1, window_bounds = array<i64: 128, 256>}, {pipeline_mode = #tpu.pipeline_mode<synchronous>, transform_indices = @transform_2, window_bounds = array<i64: 1, 128>}, {transform_indices = @transform_3, window_bounds = array<i64: 1000, 128>}]} {
    %get3A = arith.constant 0 : index
    %get3A_0 = arith.constant 0 : index
    %get3A_1 = vector.load %arg1[%get3A, %get3A_0] : memref<1000x128xf32, #tpu.memory_space<vmem>>, vector<1000x128xf32>
    %get3A_2 = arith.constant 0 : index
    %get3A_3 = arith.constant 128 : index
    %get3A_4 = vector.load %arg2[%get3A_2, %get3A_3] : memref<128x256xf32, #tpu.memory_space<vmem>>, vector<128x128xf32>
    %dot_general3A = arith.constant dense<0.000000e+00> : vector<1000x128xf32>
    %dot_general3A_5 = tpu.matmul %get3A_1, %get3A_4, %dot_general3A {dimension_numbers = #tpu.dot_dimension_numbers<[1], [1], [0], [0], [0, 0, 1, 0], [], []>, transpose_lhs_hint = false} : vector<1000x128xf32>, vector<128x128xf32>, vector<1000x128xf32> -> vector<1000x128xf32>
    %get3A_6 = arith.constant 0 : index
    %get3A_7 = arith.constant 0 : index
    %get3A_8 = vector.load %arg3[%get3A_6, %get3A_7] : memref<1x128xf32, #tpu.memory_space<vmem>>, vector<1x128xf32>
    %add3A = vector.broadcast %get3A_8 : vector<1x128xf32> to vector<1000x128xf32>
    %add3A_9 = arith.addf %dot_general3A_5, %add3A : vector<1000x128xf32>
    %swap3A = arith.constant 0 : index
    %swap3A_10 = arith.constant 0 : index
    %swap3A_11 = vector.load %arg4[%swap3A, %swap3A_10] : memref<1000x128xf32, #tpu.memory_space<vmem>>, vector<1000x128xf32>
    tpu.vector_store %arg4[%swap3A, %swap3A_10], %add3A_9 {strides = array<i32>} : memref<1000x128xf32, #tpu.memory_space<vmem>>, vector<1000x128xf32>,
    return
  }
  func.func @transform_0(%arg0: i32) -> (i32, i32) {
    %c0_i32 = arith.constant 0 : i32
    %c0_i32_0 = arith.constant 0 : i32
    return %arg0, %c0_i32 : i32, i32
  }
  func.func @transform_1(%arg0: i32) -> (i32, i32) {
    %c0_i32 = arith.constant 0 : i32
    %c0_i32_0 = arith.constant 0 : i32
    %c0_i32_1 = arith.constant 0 : i32
    return %c0_i32, %c0_i32_0 : i32, i32
  }
  func.func @transform_2(%arg0: i32) -> (i32, i32) {
    %c0_i32 = arith.constant 0 : i32
    %c0_i32_0 = arith.constant 0 : i32
    %c0_i32_1 = arith.constant 0 : i32
    return %c0_i32, %c0_i32_0 : i32, i32
  }
  func.func @transform_3(%arg0: i32) -> (i32, i32) {
    %c0_i32 = arith.constant 0 : i32
    %c0_i32_0 = arith.constant 0 : i32
    return %arg0, %c0_i32 : i32, i32
  }
}

module attributes {stable_mosaic.version = 14 : i64} {
  func.func @_tc_body(%arg0: i32, %arg1: memref<2x1000x128xf32, #tpu.memory_space<vmem>>, %arg2: memref<2x1000x128xf32, #tpu.memory_space<vmem>>, %arg3: memref<1000x128xf32, #tpu.memory_space<vmem>>, %arg4: memref<128x256xf32, #tpu.memory_space<vmem>>, %arg5: memref<1000x128xf32, #tpu.memory_space<vmem>>) attributes {dimension_semantics = [#tpu.dimension_semantics<arbitrary>], iteration_bounds = array<i64: 10>, scalar_prefetch = 0 : i64, scratch_operands = 0 : i64, tpu.core_type = #tpu.core_type<tc>, window_params = [{transform_indices = @transform_0, window_bounds = array<i64: 2, 1000, 128>}, {transform_indices = @transform_1, window_bounds = array<i64: 2, 1000, 128>}, {transform_indices = @transform_2, window_bounds = array<i64: 1000, 128>}, {pipeline_mode = #tpu.pipeline_mode<synchronous>, transform_indices = @transform_3, window_bounds = array<i64: 128, 256>}, {transform_indices = @transform_4, window_bounds = array<i64: 1000, 128>}]} {
    %get3A = arith.constant 0 : index
    %get3A_0 = arith.constant 0 : index
    %get3A_1 = arith.constant 0 : index
    %get3A_2 = vector.load %arg1[%get3A, %get3A_0, %get3A_1] : memref<2x1000x128xf32, #tpu.memory_space<vmem>>, vector<1x1000x128xf32>
    %get3A_3 = vector.shape_cast %get3A_2 : vector<1x1000x128xf32> to vector<1000x128xf32>
    %get3A_4 = arith.constant 1 : index
    %get3A_5 = arith.constant 0 : index
    %get3A_6 = arith.constant 0 : index
    %get3A_7 = vector.load %arg1[%get3A_4, %get3A_5, %get3A_6] : memref<2x1000x128xf32, #tpu.memory_space<vmem>>, vector<1x1000x128xf32>
    %get3A_8 = vector.shape_cast %get3A_7 : vector<1x1000x128xf32> to vector<1000x128xf32>
    %add3A = arith.addf %get3A_3, %get3A_8 : vector<1000x128xf32>
    %get3A_9 = arith.constant 0 : index
    %get3A_10 = arith.constant 0 : index
    %get3A_11 = arith.constant 0 : index
    %get3A_12 = vector.load %arg2[%get3A_9, %get3A_10, %get3A_11] : memref<2x1000x128xf32, #tpu.memory_space<vmem>>, vector<1x1000x1xf32>
    %get3A_13 = vector.shape_cast %get3A_12 : vector<1x1000x1xf32> to vector<1000x1xf32>
    %get3A_14 = arith.constant 1 : index
    %get3A_15 = arith.constant 0 : index
    %get3A_16 = arith.constant 0 : index
    %get3A_17 = vector.load %arg2[%get3A_14, %get3A_15, %get3A_16] : memref<2x1000x128xf32, #tpu.memory_space<vmem>>, vector<1x1000x1xf32>
    %get3A_18 = vector.shape_cast %get3A_17 : vector<1x1000x1xf32> to vector<1000x1xf32>
    %add3A_19 = arith.addf %get3A_13, %get3A_18 : vector<1000x1xf32>
    %gt3A = arith.constant 0.000000e+00 : f32
    %gt3A_20 = vector.broadcast %gt3A : f32 to vector<1000x1xf32>
    %gt3A_21 = arith.cmpf ogt, %add3A_19, %gt3A_20 : vector<1000x1xf32>
    %div3A = arith.constant 1.000000e+00 : f32
    %div3A_22 = vector.broadcast %div3A : f32 to vector<1000x1xf32>
    %div3A_23 = arith.divf %div3A_22, %add3A_19 : vector<1000x1xf32>
    %jit3A = arith.constant 0.000000e+00 : f32
    %broadcast_in_dim3A = vector.broadcast %jit3A : f32 to vector<1000x1xf32>
    %select_n3A = arith.select %gt3A_21, %div3A_23, %broadcast_in_dim3A : vector<1000x1xi1>, vector<1000x1xf32>
    %mul3A = vector.broadcast %select_n3A : vector<1000x1xf32> to vector<1000x128xf32>
    %mul3A_24 = arith.mulf %add3A, %mul3A : vector<1000x128xf32>
    %get3A_25 = arith.constant 0 : index
    %get3A_26 = arith.constant 0 : index
    %get3A_27 = vector.load %arg4[%get3A_25, %get3A_26] : memref<128x256xf32, #tpu.memory_space<vmem>>, vector<128x128xf32>
    %dot_general3A = arith.constant dense<0.000000e+00> : vector<1000x128xf32>
    %dot_general3A_28 = tpu.matmul %mul3A_24, %get3A_27, %dot_general3A {dimension_numbers = #tpu.dot_dimension_numbers<[1], [1], [0], [0], [0, 0, 1, 0], [], []>, transpose_lhs_hint = false} : vector<1000x128xf32>, vector<128x128xf32>, vector<1000x128xf32> -> vector<1000x128xf32>
    %get3A_29 = arith.constant 0 : index
    %get3A_30 = arith.constant 0 : index
    %get3A_31 = vector.load %arg3[%get3A_29, %get3A_30] : memref<1000x128xf32, #tpu.memory_space<vmem>>, vector<1000x128xf32>
    %add3A_32 = arith.addf %dot_general3A_28, %get3A_31 : vector<1000x128xf32>
    %swap3A = arith.constant 0 : index
    %swap3A_33 = arith.constant 0 : index
    %swap3A_34 = vector.load %arg5[%swap3A, %swap3A_33] : memref<1000x128xf32, #tpu.memory_space<vmem>>, vector<1000x128xf32>
    tpu.vector_store %arg5[%swap3A, %swap3A_33], %add3A_32 {strides = array<i32>} : memref<1000x128xf32, #tpu.memory_space<vmem>>, vector<1000x128xf32>,
    return
  }
  func.func @transform_0(%arg0: i32) -> (i32, i32, i32) {
    %c0_i32 = arith.constant 0 : i32
    %c0_i32_0 = arith.constant 0 : i32
    %c0_i32_1 = arith.constant 0 : i32
    return %c0_i32, %arg0, %c0_i32_0 : i32, i32, i32
  }
  func.func @transform_1(%arg0: i32) -> (i32, i32, i32) {
    %c0_i32 = arith.constant 0 : i32
    %c0_i32_0 = arith.constant 0 : i32
    %c0_i32_1 = arith.constant 0 : i32
    return %c0_i32, %arg0, %c0_i32_0 : i32, i32, i32
  }
  func.func @transform_2(%arg0: i32) -> (i32, i32) {
    %c0_i32 = arith.constant 0 : i32
    %c0_i32_0 = arith.constant 0 : i32
    return %arg0, %c0_i32 : i32, i32
  }
  func.func @transform_3(%arg0: i32) -> (i32, i32) {
    %c0_i32 = arith.constant 0 : i32
    %c0_i32_0 = arith.constant 0 : i32
    %c0_i32_1 = arith.constant 0 : i32
    return %c0_i32, %c0_i32_0 : i32, i32
  }
  func.func @transform_4(%arg0: i32) -> (i32, i32) {
    %c0_i32 = arith.constant 0 : i32
    %c0_i32_0 = arith.constant 0 : i32
    return %arg0, %c0_i32 : i32, i32
  }
}

</mosaic_0001>

<sc_bundles>
// kernel: kernel.5.cloned.1.call-start
scs
__scs_entry_jumppad:
0x0: {  	(pc) =	sbr.rel $0x88, $3  }
0x1: {  	(tag) =	ssettag $0x0;
	lr =	simm.s32 $0x1  }
0x2: {  	[smem:$0x3F9D] =	sst lr;
	_ =	strace $0xD0000000  }
0x3: {  	_ = 	snop  }
0x4: {  	_ = 	snop  }
0x5: {  	_ = 	snop  }
0x6: {  	_ = 	snop  }
0x7: {  	_ = 	snop  }
__scs_overlays_trampoline_lowered:
0x8: {  	[smem:$0x3FAC] =	sst s0  }
0x9: {  	[smem:$0x3FAD] =	sst s1  }
0xa: {  	[smem:$0x3FAE] =	sst s2  }
0xb: {  	[smem:$0x3FAF] =	sst s3  }
0xc: {  	[smem:$0x3FB0] =	sst s4  }
0xd: {  	[smem:$0x3FB1] =	sst s5  }
0xe: {  	[smem:$0x3FB2] =	sst s6  }
0xf: {  	[smem:$0x3FB3] =	sst s7  }
0x10: {  	[smem:$0x3FB4] =	sst s8  }
0x11: {  	[smem:$0x3FB5] =	sst s9;
	s0 =	simm.s32 @!p0 $0x0  }
0x12: {  	s1 =	sld [smem:$0x3F9B];
	s0 =	simm.s32 @p0 $0x1  }
0x13: {  	[smem:$0x3FB6] =	sst s0;
	s0 =	simm.s32 @!p1 $0x0  }
0x14: {  	s2 =	sld [smem:$0x3F9A];
	s0 =	simm.s32 @p1 $0x1  }
0x15: {  	[smem:$0x3FB7] =	sst s0;
	s0 =	simm.s32 @!p2 $0x0  }
0x16: {  	s3 =	sld [smem:$0x3FDB];
	s0 =	simm.s32 @p2 $0x1  }
0x17: {  	s4 =	simm.s32 $0x1BF5;
	[smem:$0x3FB9] =	sst s0  }
0x18: {  	s0 =	sld [smem:$0x3F9C];
	_ =	swait.ge [sflag:s4], $0x0  }
0x19: {  	s7 =	sld [smem:$0x3F9D]  }
0x1a: {  	s8 =	sadd.s32 $0xFFFFE003, lr  }
0x1b: {  	s9 =	sadd.s32 $0xFFFFFEF7, lr;
	s5 =	simm.s32 $0xFFFFFFFF;
	p2 =	slt.u32 s8, $0xFFFFF086  }
0x1c: {  	p1 =	slt.u32 s9, $0xF7A;
	s5 =	simm.s32 @!p2 $0x0  }
0x1d: {  	s5 =	simm.s32 @p1 $0x1;
	p0 =	seq.s32 s7, s2  }
0x1e: {  	s7 =	smul.u32 @!p0 $0xF7A, s2;
	p2 =	seq.s32 @!p0 s5, $0x0  }
0x1f: {  	s9 =	smul.u32 $0xF7A, s1;
	s8 =	simm.s32 @!p0 $0x1BF5;
	p2 =	por !p2, p0  }
0x20: {  	[sflag:s8] =	ssyncset.s32 @!p0 $0xFFFFF086;
	s6 =	sadd.s32 @!p0 s3, s7;
	s7 =	simm.s32 @!p0 $0x108  }
0x21: {  	s3 =	sadd.s32 s3, s9;
	s6 =	sadd.s32 @!p0 $0x88, s6;
	s7 =	simm.s32 @p2 $0x1082  }
0x22: {  	[simem:s7], [sflag:s8] =	dma.local @!p0 [hbm:s6], $0xF7A  }
0x23: {  	s9 =	sor.u32 $0xD0000000, s2;
	s6 =	simm.s32 $0x108;
	_ =	swait.ge @!p0 [sflag:s8], $0x0  }
0x24: {  	s3 =	sadd.s32 $0x88, s3;
	s6 =	simm.s32 @!p1 $0x1082;
	[sflag:s4] =	ssyncset.s32 $0xFFFFF086  }
0x25: {  	[simem:s6], [sflag:s4] =	dma.local [hbm:s3], $0xF7A  }
0x26: {  	[smem:$0x3F9D] =	sst s1;
	(tag) =	ssettag s2;
	_ =	strace s9  }
0x27: {  	s1 =	sld [smem:$0x3FAD]  }
0x28: {  	s2 =	sld [smem:$0x3FAE]  }
0x29: {  	s4 =	sld [smem:$0x3FB0]  }
0x2a: {  	p0 =	seq.s32 s5, $0x0;
	s5 =	sld [smem:$0x3FB1]  }
0x2b: {  	s6 =	sld [smem:$0x3FB2]  }
0x2c: {  	s7 =	sld [smem:$0x3FB3]  }
0x2d: {  	s3 =	simm.s32 $0x108;
	s8 =	sld [smem:$0x3FB4]  }
0x2e: {  	s3 =	simm.s32 @!p0 $0x1082;
	s9 =	sld [smem:$0x3FB5]  }
0x2f: {  	lr =	sadd.s32 s0, s3;
	s0 =	sld [smem:$0x3FAC]  }
0x30: {  	s3 =	sld [smem:$0x3FAF]  }
0x31: {  	[smem:$0x3FB8] =	sst s10  }
0x32: {  	s10 =	sld [smem:$0x3FB6];
	_ =	sdelay $0x3  }
0x33: {  	p0 =	seq.s32 s10, $0x1;
	s10 =	sld [smem:$0x3FB8];
	_ =	sdelay $0x3  }
0x34: {  	[smem:$0x3FB8] =	sst s10  }
0x35: {  	s10 =	sld [smem:$0x3FB7];
	_ =	sdelay $0x3  }
0x36: {  	p1 =	seq.s32 s10, $0x1;
	s10 =	sld [smem:$0x3FB8];
	_ =	sdelay $0x3  }
0x37: {  	[smem:$0x3FB8] =	sst s10  }
0x38: {  	s10 =	sld [smem:$0x3FB9]  }
0x39: {  	_ = 	snop;
	(pc) =	sbr.ind lr, $3  }
0x3a: {  	_ = 	snop  }
0x3b: {  	_ = 	snop  }
0x3c: {  	p2 =	seq.s32 s10, $0x1;
	s10 =	sld [smem:$0x3FB8]  }
0x3d: {  	_ =	shalt  }
0x3e: {  	_ =	shalt  }
0x3f: {  	_ =	shalt  }
0x40: {  	_ =	shalt  }
0x41: {  	_ =	shalt  }
0x42: {  	_ =	shalt  }
0x43: {  	_ =	shalt  }
0x44: {  	_ =	shalt  }
0x45: {  	_ =	shalt  }
0x46: {  	_ =	shalt  }
0x47: {  	_ =	shalt  }
0x48: {  	_ =	shalt  }
0x49: {  	_ =	shalt  }
0x4a: {  	_ =	shalt  }
0x4b: {  	_ =	shalt  }
0x4c: {  	_ =	shalt  }
0x4d: {  	_ =	shalt  }
0x4e: {  	_ =	shalt  }
0x4f: {  	_ =	shalt  }
0x50: {  	_ =	shalt  }
0x51: {  	_ =	shalt  }
0x52: {  	_ =	shalt  }
0x53: {  	_ =	shalt  }
0x54: {  	_ =	shalt  }
0x55: {  	_ =	shalt  }
0x56: {  	_ =	shalt  }
0x57: {  	_ =	shalt  }
0x58: {  	_ =	shalt  }
0x59: {  	_ =	shalt  }
0x5a: {  	_ =	shalt  }
0x5b: {  	_ =	shalt  }
0x5c: {  	_ =	shalt  }
0x5d: {  	_ =	shalt  }
0x5e: {  	_ =	shalt  }
0x5f: {  	_ =	shalt  }
0x60: {  	_ =	shalt  }
0x61: {  	_ =	shalt  }
0x62: {  	_ =	shalt  }
0x63: {  	_ =	shalt  }
0x64: {  	_ =	shalt  }
0x65: {  	_ =	shalt  }
0x66: {  	_ =	shalt  }
0x67: {  	_ =	shalt  }
0x68: {  	_ =	shalt  }
0x69: {  	_ =	shalt  }
0x6a: {  	_ =	shalt  }
0x6b: {  	_ =	shalt  }
0x6c: {  	_ =	shalt  }
0x6d: {  	_ =	shalt  }
0x6e: {  	_ =	shalt  }
0x6f: {  	_ =	shalt  }
0x70: {  	_ =	shalt  }
0x71: {  	_ =	shalt  }
0x72: {  	_ =	shalt  }
0x73: {  	_ =	shalt  }
0x74: {  	_ =	shalt  }
0x75: {  	_ =	shalt  }
0x76: {  	_ =	shalt  }
0x77: {  	_ =	shalt  }
0x78: {  	_ =	shalt  }
0x79: {  	_ =	shalt  }
0x7a: {  	_ =	shalt  }
0x7b: {  	_ =	shalt  }
0x7c: {  	_ =	shalt  }
0x7d: {  	_ =	shalt  }
0x7e: {  	_ =	shalt  }
0x7f: {  	_ =	shalt  }
0x80: {  	_ =	shalt  }
0x81: {  	_ =	shalt  }
0x82: {  	_ =	shalt  }
0x83: {  	_ =	shalt  }
0x84: {  	_ =	shalt  }
0x85: {  	_ =	shalt  }
0x86: {  	_ =	shalt  }
0x87: {  	_ =	shalt  }
.Lfunc_end0:
.L_simem_size_0:
called_computation_lowered:
.L_overlay_start_0:
0x88: {  	s2 =	sld [smem:$0x3FD9]  }
0x89: {  	s3 =	sld [smem:$0x3FFE];
	_ =	sdelay $0x1  }
0x8a: {  	s1 =	srdreg.scid  }
0x8b: {  	s0 =	sand.u32 $0x1, s1  }
0x8c: {  	s17 =	sshll.u32 s0, $0xA;
	s2 =	sadd.s32 s3, s2  }
0x8d: {  	s2 =	sadd.s32 s2, s17  }
0x8e: {  	[smem:$0x3FC4] =	sst s2  }
0x8f: {  	_ = 	snop  }
0x90: {  	s2 =	sld [smem:$0x3FC9]  }
0x91: {  	s18 =	sld [smem:$0x3FD0];
	(tm) =	ssettm $0x1  }
0x92: {  	s4 =	sld [smem:$0x3FFB];
	_ =	sdelay $0x3  }
0x93: {  	_ =	strace s4  }
0x94: {  	s4 =	sld [smem:$0x3FFC];
	_ =	sdelay $0x3  }
0x95: {  	_ =	strace s4  }
0x96: {  	s4 =	sld [smem:$0x3FFD];
	_ =	sdelay $0x3  }
0x97: {  	_ =	strace s4  }
0x98: {  	_ =	strace $0x8FFFFFFF  }
0x99: {  	s19 =	sld [smem:$0x3FDB];
	_ =	sdelay $0x1  }
0x9a: {  	s5 =	simm.s32 $_scs_section_size  }
0x9b: {  	s6 =	simm.s32 $_size__tile_overlayer_lowered;
	s7 =	simm.s32 $_tile_overlayer_lowered  }
0x9c: {  	s22 =	simm.s32 $0x1BFF;
	s21 =	sshll.u32 s7, $0x1;
	s4 =	sadd.s32 s5, s19  }
0x9d: {  	s8 =	simm.s32 $0x0;
	s20 =	sshll.u32 s6, $0x1;
	s6 =	sadd.s32 s21, s4  }
0x9e: {  	[timem:s8], [sflag:s22] =	dma.local [hbm:s6], s20  }
0x9f: {  	_ =	swait.ge [sflag:s22], s20  }
0xa0: {  	s5 =	ssub.s32 $0x0, s20;
	[sflag:s22] =	ssyncset.done $0x0  }
0xa1: {  	[sflag:s22] =	ssyncadd.s32 s5;
	_ =	sdelay $0x1  }
0xa2: {  	s23 =	simm.s32 $0x1B8B  }
0xa3: {  	_ =	swait.ge [sflag:s23], $0x1  }
0xa4: {  	[sflag:s23] =	ssyncset.done $0x0  }
0xa5: {  	s25 =	simm.s32 $0x1B8E;
	s24 =	sld [smem:$0x3FFE];
	[sflag:s23] =	ssyncadd.s32 $0xFFFFFFFF  }
0xa6: {  	s26 =	simm.s32 $execute0_lowered;
	[smem:$0x3FD2] =	sst s25  }
0xa7: {  	s6 =	sshll.u32 s26, $0x1;
	_ =	strace $0x80000046;
	[dreg:$0x1] =	wrdreg $0xFFFFFFFF  }
0xa8: {  	s28 =	simm.s32 $_size_execute0_lowered;
	s4 =	sadd.s32 s4, s6;
	[dreg:$0x0] =	wrdreg $0x0  }
0xa9: {  	s6 =	sshll.u32 s28, $0x1;
	[dreg:$0x2] =	wrdreg s4  }
0xaa: {  	[dreg:$0x3] =	wrdreg s6  }
0xab: {  	[dreg:$0x4] =	wrdreg $0xC0  }
0xac: {  	_ =	task [dreg:s8], $0x5FFFF  }
0xad: {  	[dreg:$0x1] =	wrdreg $0xFFFFFFFF  }
0xae: {  	[dreg:$0x0] =	wrdreg $0x60  }
0xaf: {  	[dreg:$0x2] =	wrdreg s2  }
0xb0: {  	[dreg:$0x3] =	wrdreg s18  }
0xb1: {  	[dreg:$0x4] =	wrdreg s24  }
0xb2: {  	[dreg:$0x5] =	wrdreg $0x91000  }
0xb3: {  	[dreg:$0x6] =	wrdreg $0x9  }
0xb4: {  	_ =	task.clear_ibuf [dreg:s8], $0x7FFFF;
	_ =	strace $0x90000046  }
0xb5: {  	s29 =	simm.s32 $0x9;
	_ =	strace $0x80000048  }
0xb6: {  	_ =	swait.ge [sflag:s29], $0x1  }
0xb7: {  	[sflag:s29] =	ssyncadd.s32 $0xFFFFFFFF  }
0xb8: {  	_ =	strace $0x90000048  }
0xb9: {  	_ =	sfence  }
0xba: {  	s30 =	sld [smem:$0x0];
	_ =	sdelay $0x2  }
0xbb: {  	s31 =	sshll.u32 s1, $0xD;
	s1 =	sshrl.u32 s1, $0x2  }
0xbc: {  	s3 =	sand.u32 $0x4000, s31;
	s1 =	sadd.s32 s1, s30  }
0xbd: {  	s0 =	sor.u32 s3, s0;
	s1 =	sshll.u32 s1, $0x11  }
0xbe: {  	s0 =	sor.u32 s1, s0  }
0xbf: {  	s0 =	sadd.s32 $0x8F2B, s0  }
0xc0: {  	[sflag:s0] =	ssyncadd.remote.s32 $0x1  }
0xc1: {  	_ =	sfence.sel $0xFFFF  }
0xc2: {  	[dreg:$0x0] =	wrdreg $0xFFFFFFFF;
	(pc) =	sbr.abs _section_cstart, $3  }
0xc3: {  	[dreg:$0x1] =	wrdreg $0xFFFFFFFF  }
0xc4: {  	_ =	task.clear_ibuf [dreg:s8], $0x2FFFF;
	_ =	strace $0x9FFFFFFF  }
0xc5: {  	(tm) =	ssettm $0x7FFFFFFF  }
tec
execute0_lowered:
.L_overlay_start_1:
0x0: {  	(tag) =	ssettag $0x1  }
0x1: {  	s0 =	srdreg.scid  }
0x2: {  	s21 =	stileid.u32;
	s4 =	rddreg [dreg:$0x2]  }
0x3: {  	s1 =	simm.s32 $0x0;
	s0 =	sand.u32 $0x1, s0;
	s5 =	smul.u32 $0x14000, s21  }
0x4: {  	[smem:$0x7FF] =	sst s1;
	s6 =	sshll.u32 s21, $0xE;
	s7 =	sadd.s32 $0x60E00, s4  }
0x5: {  	s3 =	smul.u32 $0x140000, s0;
	s2 =	sshll.u32 s0, $0x12;
	s0 =	ssub.s32 $0x2, s0  }
0x6: {  	s9 =	sadd.s32 $0x10E00, s4;
	s2 =	sor.u32 s6, s2;
	s8 =	sshrl.u32 s0, $0x1  }
0x7: {  	s10 =	sadd.s32 $0x5000, s5;
	s11 =	sadd.s32 $0x7800, s5;
	s15 =	sadd.s32 s3, s5  }
0x8: {  	s12 =	sadd.s32 $0xA000, s5;
	s13 =	sadd.s32 $0xC800, s5;
	s6 =	sshrl.u32 s15, $0x3  }
0x9: {  	s0 =	ssub.s32 s0, s8;
	s8 =	sor.u32 $0x2800, s5;
	s16 =	sadd.s32 s7, s6  }
0xa: {  	s15 =	sadd.s32 s3, s10;
	s6 =	sadd.s32 s9, s6;
	[dreg:$0x5] =	wrdreg s16  }
0xb: {  	s17 =	sadd.s32 s3, s8;
	s15 =	sshrl.u32 s15, $0x3;
	[dreg:$0x6] =	wrdreg s6  }
0xc: {  	s18 =	sadd.s32 s9, s15;
	s25 =	sadd.s32 s7, s15;
	s15 =	rddreg [dreg:$0x0]  }
0xd: {  	s20 =	sadd.s32 s3, s12;
	s6 =	sshrl.u32 s17, $0x3;
	[dreg:$0x8] =	wrdreg s18  }
0xe: {  	s16 =	sadd.s32 s3, s11;
	s17 =	sadd.s32 s9, s6;
	[dreg:$0xf] =	wrdreg s25  }
0xf: {  	s16 =	sshrl.u32 s16, $0x3;
	s6 =	sadd.s32 s7, s6;
	[dreg:$0x7] =	wrdreg s17  }
0x10: {  	s18 =	sadd.s32 s3, s13;
	s19 =	sadd.s32 s9, s16;
	[dreg:$0xe] =	wrdreg s6  }
0x11: {  	s17 =	sshrl.u32 s20, $0x3;
	s26 =	sadd.s32 s7, s16;
	[dreg:$0x9] =	wrdreg s19  }
0x12: {  	s18 =	sshrl.u32 s18, $0x3;
	s22 =	sadd.s32 s9, s17;
	[dreg:$0x10] =	wrdreg s26  }
0x13: {  	s23 =	sadd.s32 s9, s18;
	[dreg:$0xa] =	wrdreg s22  }
0x14: {  	s14 =	sadd.s32 $0xF000, s5;
	s28 =	sadd.s32 s7, s17;
	[dreg:$0xb] =	wrdreg s23  }
0x15: {  	s5 =	sadd.s32 $0x11800, s5;
	s19 =	sadd.s32 s3, s14;
	[dreg:$0x11] =	wrdreg s28  }
0x16: {  	s3 =	sadd.s32 s3, s5;
	s20 =	sshrl.u32 s19, $0x3;
	s19 =	rddreg [dreg:$0x1]  }
0x17: {  	s3 =	sshrl.u32 s3, $0x3;
	s22 =	rddreg [dreg:$0x3];
	s24 =	sadd.s32 s9, s20  }
0x18: {  	s0 =	smax.u32 s0, $0x1;
	s9 =	sadd.s32 s9, s3;
	[dreg:$0xc] =	wrdreg s24  }
0x19: {  	s6 =	simm.s32 $0x3;
	s16 =	sadd.s32 s7, s20;
	[dreg:$0xd] =	wrdreg s9  }
0x1a: {  	s17 =	sshrl.u32 s2, $0x3;
	s3 =	sadd.s32 s7, s3;
	[dreg:$0x13] =	wrdreg s16  }
0x1b: {  	s20 =	sadd.s32 s17, s4;
	s9 =	sadd.s32 s7, s18;
	[dreg:$0x14] =	wrdreg s3  }
0x1c: {  	s4 =	sadd.s32 $0x10800, s4;
	s18 =	smul.u32 $0x50000, s21;
	[dreg:$0x12] =	wrdreg s9  }
0x1d: {  	s21 =	sadd.s32 $0x800, s20;
	_ =	strace $0x80000047;
	[dreg:$0x15] =	wrdreg s4  }
0x1e: {  	s30 =	sadd.s32 s8, s22;
	s3 =	sadd.s32 s19, s17;
	[dreg:$0x16] =	wrdreg s21  }
0x1f: {  	s31 =	sadd.s32 s10, s22;
	s25 =	sadd.s32 s12, s22;
	[dreg:$0x17] =	wrdreg s3  }
0x20: {  	s26 =	sadd.s32 s13, s22;
	s24 =	sadd.s32 s11, s22;
	[dreg:$0x18] =	wrdreg s0  }
0x21: {  	s28 =	sadd.s32 s14, s22;
	s8 =	simm.s32 $0x4100;
	[dreg:$0x19] =	wrdreg s24  }
0x22: {  	s10 =	simm.s32 $0x1;
	s12 =	simm.s32 $0x0;
	[dreg:$0x1a] =	wrdreg s25  }
0x23: {  	s7 =	simm.s32 $0x50;
	s11 =	simm.s32 $0x2;
	[dreg:$0x1b] =	wrdreg s26  }
0x24: {  	s9 =	simm.s32 $0x80;
	s23 =	sshrl.u32 s18, $0x2;
	[dreg:$0x1c] =	wrdreg s28  }
0x25: {  	v0 =	vimm.f32 $0.0e+00;
	s4 =	sadd.s32 s5, s22;
	s5 =	simm.s32 $0x6900;
	s29 =	sadd.s32 s23, s22  }
.LBB2_1:
0x26: {  	s13 =	simm.s32 $0x0;
	s14 =	simm.s32 $0x200  }
.LBB2_2:
0x27: {  	p0 =	sne.s32 s14, $0x9E00;
	[tilespmem:s13+$0x6970] =	vst v0  }
0x28: {  	[tilespmem:s13+$0x6900] =	vst v0  }
0x29: {  	[tilespmem:s13+$0x6910] =	vst v0  }
.Ltmp0:
0x2a: {  	[tilespmem:s13+$0x6920] =	vst v0;
	(pc) =	sbr.rel @p0 .LBB2_2-.Ltmp0, $4  }
0x2b: {  	[tilespmem:s13+$0x6930] =	vst v0  }
0x2c: {  	[tilespmem:s13+$0x6940] =	vst v0  }
0x2d: {  	[tilespmem:s13+$0x6950] =	vst v0  }
0x2e: {  	[tilespmem:s13+$0x6960] =	vst v0;
	s13 =	sshra.s32 s14, $0x2;
	s14 =	sadd.s32 $0x200, s14  }
0x2f: {  	[tilespmem:s13+$0x6970] =	vst v0  }
0x30: {  	[tilespmem:s13+$0x6900] =	vst v0  }
0x31: {  	[tilespmem:s13+$0x6910] =	vst v0  }
0x32: {  	[tilespmem:s13+$0x6920] =	vst v0  }
0x33: {  	[tilespmem:s13+$0x6930] =	vst v0  }
0x34: {  	[tilespmem:s13+$0x6940] =	vst v0  }
0x35: {  	[tilespmem:s13+$0x6950] =	vst v0  }
0x36: {  	[tilespmem:s13+$0x6960] =	vst v0  }
0x37: {  	[spmem:s29] =	stream.linear.scatter [tilespmem:s5], [sflag:$0x3], $0x2800, $0x38;
	[tilespmem:$0x1D100] =	vst v63  }
0x38: {  	_ =	swait.ge [sflag:s6], $0x2800  }
0x39: {  	[sflag:s6] =	ssyncset.done $0x0  }
0x3a: {  	[sflag:s6] =	ssyncadd.s32 $0xFFFFD800  }
0x3b: {  	[spmem:s30] =	stream.linear.scatter [tilespmem:s5], [sflag:$0x3], $0x2800, $0x38;
	[tilespmem:$0x1D100] =	vst v63  }
0x3c: {  	_ =	swait.ge [sflag:s6], $0x2800  }
0x3d: {  	[sflag:s6] =	ssyncset.done $0x0  }
0x3e: {  	[sflag:s6] =	ssyncadd.s32 $0xFFFFD800  }
0x3f: {  	[spmem:s31] =	stream.linear.scatter [tilespmem:s5], [sflag:$0x3], $0x2800, $0x38;
	[tilespmem:$0x1D100] =	vst v63  }
0x40: {  	_ =	swait.ge [sflag:s6], $0x2800  }
0x41: {  	[sflag:s6] =	ssyncset.done $0x0  }
0x42: {  	s0 =	rddreg [dreg:$0x19];
	[sflag:s6] =	ssyncadd.s32 $0xFFFFD800  }
0x43: {  	[spmem:s0] =	stream.linear.scatter [tilespmem:s5], [sflag:$0x3], $0x2800, $0x38;
	[tilespmem:$0x1D100] =	vst v63  }
0x44: {  	_ =	swait.ge [sflag:s6], $0x2800  }
0x45: {  	[sflag:s6] =	ssyncset.done $0x0  }
0x46: {  	s17 =	rddreg [dreg:$0x1a];
	[sflag:s6] =	ssyncadd.s32 $0xFFFFD800  }
0x47: {  	[spmem:s17] =	stream.linear.scatter [tilespmem:s5], [sflag:$0x3], $0x2800, $0x38;
	[tilespmem:$0x1D100] =	vst v63  }
0x48: {  	_ =	swait.ge [sflag:s6], $0x2800  }
0x49: {  	[sflag:s6] =	ssyncset.done $0x0  }
0x4a: {  	s18 =	rddreg [dreg:$0x1b];
	[sflag:s6] =	ssyncadd.s32 $0xFFFFD800  }
0x4b: {  	[spmem:s18] =	stream.linear.scatter [tilespmem:s5], [sflag:$0x3], $0x2800, $0x38;
	[tilespmem:$0x1D100] =	vst v63  }
0x4c: {  	_ =	swait.ge [sflag:s6], $0x2800  }
0x4d: {  	[sflag:s6] =	ssyncset.done $0x0  }
0x4e: {  	s20 =	rddreg [dreg:$0x1c];
	[sflag:s6] =	ssyncadd.s32 $0xFFFFD800  }
0x4f: {  	[spmem:s20] =	stream.linear.scatter [tilespmem:s5], [sflag:$0x3], $0x2800, $0x38;
	[tilespmem:$0x1D100] =	vst v63  }
0x50: {  	_ =	swait.ge [sflag:s6], $0x2800  }
0x51: {  	[sflag:s6] =	ssyncset.done $0x0  }
0x52: {  	[sflag:s6] =	ssyncadd.s32 $0xFFFFD800  }
0x53: {  	[spmem:s4] =	stream.linear.scatter [tilespmem:s5], [sflag:$0x3], $0x2800, $0x38;
	[tilespmem:$0x1D100] =	vst v63  }
0x54: {  	_ =	swait.ge [sflag:s6], $0x2800  }
0x55: {  	[sflag:s6] =	ssyncset.done $0x0  }
0x56: {  	s21 =	simm.s32 $0x100;
	s14 =	rddreg [dreg:$0x16];
	[sflag:s6] =	ssyncadd.s32 $0xFFFFD800  }
0x57: {  	[tilespmem:s21], [sflag:$0x3] =	stream.linear.gather [hbm4b:s14+s1], $0x3E80, $0x38;
	[tilespmem:$0x1D100] =	vst v63  }
0x58: {  	_ =	swait.ge [sflag:s6], $0x3E80  }
0x59: {  	[sflag:s6] =	ssyncset.done $0x0  }
0x5a: {  	[sflag:s6] =	ssyncadd.s32 $0xFFFFC180  }
0x5b: {  	s24 =	simm.s32 $0x80;
	s17 =	simm.s32 $0x0;
	[bflag:$0x0] =	sbarrier.arrive $0xFFFF  }
0x5c: {  	s17 =	sand.u32 $0x3C00, s17;
	s14 =	sand.u32 $0x380, s24;
	s23 =	rddreg [dreg:$0x17]  }
0x5d: {  	[tilespmem:s1], [sflag:$0x3] =	stream.linear.gather [hbm4b:s23+s1], $0x80, $0x38;
	[tilespmem:$0x1D100] =	vst v63  }
0x5e: {  	s14 =	sor.u32 s14, s17;
	_ =	swait.ge [sflag:s6], $0x80  }
0x5f: {  	s14 =	sor.u32 s2, s14;
	[sflag:s6] =	ssyncset.done $0x0  }
0x60: {  	s14 =	sshrl.u32 s14, $0x3;
	[sflag:s6] =	ssyncadd.s32 $0xFFFFFF80  }
0x61: {  	[tilespmem:s8], [sflag:$0x1] =	stream.indirect.gather [hbm4b:s15+s7], $0x80, s1, s7, $0xb8;
	[tilespmem:$0x1D100] =	vst v63  }
0x62: {  	s14 =	sadd.s32 s19, s14  }
0x63: {  	[tilespmem:s9], [sflag:$0x3] =	stream.linear.gather [hbm4b:s14+s1], $0x80, $0x38;
	[tilespmem:$0x1D100] =	vst v63  }
0x64: {  	_ =	swait.ge [sflag:s6], $0x80  }
0x65: {  	[sflag:s6] =	ssyncset.done $0x0  }
0x66: {  	[sflag:s6] =	ssyncadd.s32 $0xFFFFFF80  }
0x67: {  	[tilespmem:s5], [sflag:$0x2] =	stream.indirect.gather [hbm4b:s15+s7], $0x80, s9, s7, $0xb8;
	[tilespmem:$0x1D100] =	vst v63  }
0x68: {  	_ =	swait.ge [sflag:s10], $0x2800  }
0x69: {  	s25 =	sand.u32 $0x7C00, s21;
	[sflag:s10] =	ssyncset.done $0x0  }
0x6a: {  	s13 =	sand.u32 $0x300, s21;
	s14 =	sadd.s32 s2, s25;
	[sflag:s10] =	ssyncadd.s32 $0xFFFFD800  }
0x6b: {  	[spmem:s22] =	stream.indirect.scatter.add.f32 [tilespmem:s8], [sflag:$0x3], $0x80, s21, s7, $0xb8;
	[tilespmem:$0x1D100] =	vst v63  }
0x6c: {  	s13 =	sor.u32 s13, s14;
	_ =	swait.ge [sflag:s6], $0x2800  }
0x6d: {  	s26 =	simm.s32 $0x180;
	s13 =	sshrl.u32 s13, $0x3;
	[sflag:s6] =	ssyncset.done $0x0  }
0x6e: {  	s28 =	simm.s32 $0x100;
	s13 =	sadd.s32 s19, s13;
	[sflag:s6] =	ssyncadd.s32 $0xFFFFD800  }
0x6f: {  	[tilespmem:s1], [sflag:$0x3] =	stream.linear.gather [hbm4b:s13+s1], $0x80, $0x38;
	[tilespmem:$0x1D100] =	vst v63  }
0x70: {  	s18 =	simm.s32 $0x180;
	s20 =	simm.s32 $0x300;
	_ =	swait.ge [sflag:s6], $0x80  }
0x71: {  	s17 =	sand.u32 $0x3C00, s28;
	s23 =	simm.s32 $0x300;
	[sflag:s6] =	ssyncset.done $0x0  }
0x72: {  	s14 =	simm.s32 $0x200;
	s13 =	sand.u32 $0x380, s26;
	[sflag:s6] =	ssyncadd.s32 $0xFFFFFF80  }
0x73: {  	[tilespmem:s8], [sflag:$0x1] =	stream.indirect.gather [hbm4b:s15+s7], $0x80, s1, s7, $0xb8;
	[tilespmem:$0x1D100] =	vst v63  }
0x74: {  	s17 =	sor.u32 s13, s17;
	s13 =	simm.s32 $0x280;
	_ =	swait.ge [sflag:s11], $0x2800  }
0x75: {  	s24 =	sor.u32 s2, s17;
	s17 =	simm.s32 $0x200;
	[sflag:s11] =	ssyncset.done $0x0  }
.LBB2_4:
0x76: {  	s24 =	sshrl.u32 s24, $0x3  }
0x77: {  	[sflag:s11] =	ssyncadd.s32 $0xFFFFD800;
	s25 =	smov.u32 s23;
	s21 =	sadd.s32 $0x100, s23  }
0x78: {  	[spmem:s22] =	stream.indirect.scatter.add.f32 [tilespmem:s5], [sflag:$0x3], $0x80, s18, s7, $0xb8;
	[tilespmem:$0x1D100] =	vst v63  }
0x79: {  	s26 =	sadd.s32 $0x80, s20;
	p0 =	sne.s32 s23, $0x3E00;
	_ =	swait.ge [sflag:s6], $0x2800  }
0x7a: {  	s18 =	smov.u32 s13;
	s13 =	smov.u32 s26;
	[sflag:s6] =	ssyncset.done $0x0  }
0x7b: {  	s23 =	sadd.s32 s19, s24;
	[sflag:s6] =	ssyncadd.s32 $0xFFFFD800  }
0x7c: {  	[tilespmem:s9], [sflag:$0x3] =	stream.linear.gather [hbm4b:s23+s1], $0x80, $0x38;
	[tilespmem:$0x1D100] =	vst v63  }
0x7d: {  	_ =	swait.ge [sflag:s6], $0x80  }
0x7e: {  	[sflag:s6] =	ssyncset.done $0x0  }
0x7f: {  	[sflag:s6] =	ssyncadd.s32 $0xFFFFFF80  }
0x80: {  	[tilespmem:s5], [sflag:$0x2] =	stream.indirect.gather [hbm4b:s15+s7], $0x80, s9, s7, $0xb8;
	[tilespmem:$0x1D100] =	vst v63  }
0x81: {  	_ =	swait.ge [sflag:s10], $0x2800  }
0x82: {  	[sflag:s10] =	ssyncset.done $0x0  }
0x83: {  	s23 =	sand.u32 $0x7C00, s14;
	[sflag:s10] =	ssyncadd.s32 $0xFFFFD800  }
0x84: {  	[spmem:s22] =	stream.indirect.scatter.add.f32 [tilespmem:s8], [sflag:$0x3], $0x80, s17, s7, $0xb8;
	[tilespmem:$0x1D100] =	vst v63  }
0x85: {  	s14 =	sand.u32 $0x300, s14;
	s17 =	sadd.s32 s2, s23;
	_ =	swait.ge [sflag:s6], $0x2800  }
0x86: {  	s17 =	sor.u32 s14, s17;
	s14 =	smov.u32 s25;
	[sflag:s6] =	ssyncset.done $0x0  }
0x87: {  	s23 =	sshrl.u32 s17, $0x3;
	s17 =	smov.u32 s20;
	[sflag:s6] =	ssyncadd.s32 $0xFFFFD800  }
0x88: {  	s23 =	sadd.s32 s19, s23  }
0x89: {  	[tilespmem:s1], [sflag:$0x3] =	stream.linear.gather [hbm4b:s23+s1], $0x80, $0x38;
	[tilespmem:$0x1D100] =	vst v63  }
0x8a: {  	s24 =	sadd.s32 $0xFFFFFF00, s14;
	_ =	swait.ge [sflag:s6], $0x80  }
.Ltmp1:
0x8b: {  	s23 =	sadd.s32 $0xFFFFFF80, s14;
	[sflag:s6] =	ssyncset.done $0x0;
	(pc) =	sbr.rel @p0 .LBB2_4-.Ltmp1, $4  }
0x8c: {  	s24 =	sand.u32 $0x3C00, s24;
	s23 =	sand.u32 $0x380, s23;
	[sflag:s6] =	ssyncadd.s32 $0xFFFFFF80  }
0x8d: {  	[tilespmem:s8], [sflag:$0x1] =	stream.indirect.gather [hbm4b:s15+s7], $0x80, s1, s7, $0xb8;
	[tilespmem:$0x1D100] =	vst v63  }
0x8e: {  	s20 =	sadd.s32 $0x100, s20;
	s23 =	sor.u32 s23, s24;
	_ =	swait.ge [sflag:s11], $0x2800  }
0x8f: {  	s24 =	sor.u32 s2, s23;
	s23 =	smov.u32 s21;
	[sflag:s11] =	ssyncset.done $0x0  }
0x90: {  	[sflag:s11] =	ssyncadd.s32 $0xFFFFD800  }
0x91: {  	[spmem:s22] =	stream.indirect.scatter.add.f32 [tilespmem:s5], [sflag:$0x3], $0x80, s18, s7, $0xb8;
	[tilespmem:$0x1D100] =	vst v63  }
0x92: {  	_ =	swait.ge [sflag:s6], $0x2800  }
0x93: {  	s26 =	sshrl.u32 s24, $0x3;
	[sflag:s6] =	ssyncset.done $0x0  }
0x94: {  	s18 =	sadd.s32 s19, s26;
	[sflag:s6] =	ssyncadd.s32 $0xFFFFD800  }
0x95: {  	[tilespmem:s9], [sflag:$0x3] =	stream.linear.gather [hbm4b:s18+s1], $0x80, $0x38;
	[tilespmem:$0x1D100] =	vst v63  }
0x96: {  	_ =	swait.ge [sflag:s6], $0x80  }
0x97: {  	[sflag:s6] =	ssyncset.done $0x0  }
0x98: {  	[sflag:s6] =	ssyncadd.s32 $0xFFFFFF80  }
0x99: {  	[tilespmem:s5], [sflag:$0x2] =	stream.indirect.gather [hbm4b:s15+s7], $0x80, s9, s7, $0xb8;
	[tilespmem:$0x1D100] =	vst v63  }
0x9a: {  	_ =	swait.ge [sflag:s10], $0x2800  }
0x9b: {  	s0 =	sand.u32 $0x7C00, s14;
	[sflag:s10] =	ssyncset.done $0x0  }
0x9c: {  	s16 =	sand.u32 $0x300, s14;
	s3 =	sadd.s32 s2, s0;
	[sflag:s10] =	ssyncadd.s32 $0xFFFFD800  }
0x9d: {  	[spmem:s22] =	stream.indirect.scatter.add.f32 [tilespmem:s8], [sflag:$0x3], $0x80, s17, s7, $0xb8;
	[tilespmem:$0x1D100] =	vst v63  }
0x9e: {  	s14 =	sor.u32 s16, s3;
	_ =	swait.ge [sflag:s6], $0x2800  }
0x9f: {  	s14 =	sshrl.u32 s14, $0x3;
	[sflag:s6] =	ssyncset.done $0x0  }
0xa0: {  	s14 =	sadd.s32 s19, s14;
	[sflag:s6] =	ssyncadd.s32 $0xFFFFD800  }
0xa1: {  	[tilespmem:s1], [sflag:$0x3] =	stream.linear.gather [hbm4b:s14+s1], $0x80, $0x38;
	[tilespmem:$0x1D100] =	vst v63  }
0xa2: {  	_ =	swait.ge [sflag:s6], $0x80  }
0xa3: {  	[sflag:s6] =	ssyncset.done $0x0  }
0xa4: {  	[sflag:s6] =	ssyncadd.s32 $0xFFFFFF80  }
0xa5: {  	[tilespmem:s8], [sflag:$0x1] =	stream.indirect.gather [hbm4b:s15+s7], $0x80, s1, s7, $0xb8;
	[tilespmem:$0x1D100] =	vst v63  }
0xa6: {  	_ =	swait.ge [sflag:s11], $0x2800  }
0xa7: {  	[sflag:s11] =	ssyncset.done $0x0  }
0xa8: {  	[sflag:s11] =	ssyncadd.s32 $0xFFFFD800  }
0xa9: {  	[spmem:s22] =	stream.indirect.scatter.add.f32 [tilespmem:s5], [sflag:$0x3], $0x80, s13, s7, $0xb8;
	[tilespmem:$0x1D100] =	vst v63  }
0xaa: {  	_ =	swait.ge [sflag:s6], $0x2800  }
0xab: {  	[sflag:s6] =	ssyncset.done $0x0  }
0xac: {  	[sflag:s6] =	ssyncadd.s32 $0xFFFFD800  }
0xad: {  	_ =	swait.ge [sflag:s10], $0x2800  }
0xae: {  	[sflag:s10] =	ssyncset.done $0x0  }
0xaf: {  	s0 =	simm.s32 $0x3F00;
	[sflag:s10] =	ssyncadd.s32 $0xFFFFD800  }
0xb0: {  	[spmem:s22] =	stream.indirect.scatter.add.f32 [tilespmem:s8], [sflag:$0x3], $0x80, s0, s7, $0xb8;
	[tilespmem:$0x1D100] =	vst v63  }
0xb1: {  	_ =	swait.ge [sflag:s6], $0x2800  }
0xb2: {  	[sflag:s6] =	ssyncset.done $0x0  }
0xb3: {  	s17 =	stileid.u32;
	[sflag:s6] =	ssyncadd.s32 $0xFFFFD800  }
0xb4: {  	s13 =	sshll.u32 s17, $0x6;
	[bflag:$0x0] =	sbarrier.arrive $0xFFFF  }
0xb5: {  	s14 =	sshrl.u32 s29, $0x3;
	s13 =	sor.u32 $0x1C03, s13;
	s18 =	rddreg [dreg:$0x6]  }
0xb6: {  	[hbm:s18], [sflag:s13] =	dma.local [spmem:s14], $0x500  }
0xb7: {  	_ =	swait.ge [sflag:s6], $0x500  }
0xb8: {  	[sflag:s6] =	ssyncset.done $0x0  }
0xb9: {  	s17 =	sshrl.u32 s30, $0x3;
	s20 =	rddreg [dreg:$0x7];
	[sflag:s6] =	ssyncadd.s32 $0xFFFFFB00  }
0xba: {  	[hbm:s20], [sflag:s13] =	dma.local [spmem:s17], $0x500  }
0xbb: {  	_ =	swait.ge [sflag:s6], $0x500  }
0xbc: {  	[sflag:s6] =	ssyncset.done $0x0  }
0xbd: {  	s18 =	sshrl.u32 s31, $0x3;
	s20 =	rddreg [dreg:$0x8];
	[sflag:s6] =	ssyncadd.s32 $0xFFFFFB00  }
0xbe: {  	[hbm:s20], [sflag:s13] =	dma.local [spmem:s18], $0x500  }
0xbf: {  	_ =	swait.ge [sflag:s6], $0x500  }
0xc0: {  	[sflag:s6] =	ssyncset.done $0x0;
	s21 =	rddreg [dreg:$0x19]  }
0xc1: {  	[sflag:s6] =	ssyncadd.s32 $0xFFFFFB00;
	s20 =	sshrl.u32 s21, $0x3;
	s21 =	rddreg [dreg:$0x9]  }
0xc2: {  	[hbm:s21], [sflag:s13] =	dma.local [spmem:s20], $0x500  }
0xc3: {  	_ =	swait.ge [sflag:s6], $0x500  }
0xc4: {  	[sflag:s6] =	ssyncset.done $0x0;
	s23 =	rddreg [dreg:$0x1a]  }
0xc5: {  	[sflag:s6] =	ssyncadd.s32 $0xFFFFFB00;
	s21 =	sshrl.u32 s23, $0x3;
	s23 =	rddreg [dreg:$0xa]  }
0xc6: {  	[hbm:s23], [sflag:s13] =	dma.local [spmem:s21], $0x500  }
0xc7: {  	_ =	swait.ge [sflag:s6], $0x500  }
0xc8: {  	[sflag:s6] =	ssyncset.done $0x0;
	s24 =	rddreg [dreg:$0x1b]  }
0xc9: {  	s25 =	rddreg [dreg:$0xb];
	[sflag:s6] =	ssyncadd.s32 $0xFFFFFB00;
	s23 =	sshrl.u32 s24, $0x3  }
0xca: {  	[hbm:s25], [sflag:s13] =	dma.local [spmem:s23], $0x500  }
0xcb: {  	_ =	swait.ge [sflag:s6], $0x500  }
0xcc: {  	[sflag:s6] =	ssyncset.done $0x0;
	s26 =	rddreg [dreg:$0x1c]  }
0xcd: {  	s25 =	rddreg [dreg:$0xc];
	[sflag:s6] =	ssyncadd.s32 $0xFFFFFB00;
	s24 =	sshrl.u32 s26, $0x3  }
0xce: {  	[hbm:s25], [sflag:s13] =	dma.local [spmem:s24], $0x500  }
0xcf: {  	_ =	swait.ge [sflag:s6], $0x500  }
0xd0: {  	[sflag:s6] =	ssyncset.done $0x0  }
0xd1: {  	s25 =	sshrl.u32 s4, $0x3;
	s26 =	rddreg [dreg:$0xd];
	[sflag:s6] =	ssyncadd.s32 $0xFFFFFB00  }
0xd2: {  	[hbm:s26], [sflag:s13] =	dma.local [spmem:s25], $0x500  }
0xd3: {  	_ =	swait.ge [sflag:s6], $0x500  }
0xd4: {  	[sflag:s6] =	ssyncset.done $0x0  }
0xd5: {  	s28 =	simm.s32 $0x200;
	s26 =	simm.s32 $0x0;
	[sflag:s6] =	ssyncadd.s32 $0xFFFFFB00  }
.LBB2_6:
0xd6: {  	p0 =	sne.s32 s28, $0x9E00;
	[tilespmem:s26+$0x6970] =	vst v0  }
0xd7: {  	[tilespmem:s26+$0x6900] =	vst v0  }
0xd8: {  	[tilespmem:s26+$0x6910] =	vst v0  }
.Ltmp2:
0xd9: {  	[tilespmem:s26+$0x6920] =	vst v0;
	(pc) =	sbr.rel @p0 .LBB2_6-.Ltmp2, $4  }
0xda: {  	[tilespmem:s26+$0x6930] =	vst v0  }
0xdb: {  	[tilespmem:s26+$0x6940] =	vst v0  }
0xdc: {  	[tilespmem:s26+$0x6950] =	vst v0  }
0xdd: {  	[tilespmem:s26+$0x6960] =	vst v0;
	s26 =	sshra.s32 s28, $0x2;
	s28 =	sadd.s32 $0x200, s28  }
0xde: {  	[tilespmem:s26+$0x6970] =	vst v0  }
0xdf: {  	[tilespmem:s26+$0x6900] =	vst v0  }
0xe0: {  	[tilespmem:s26+$0x6910] =	vst v0  }
0xe1: {  	[tilespmem:s26+$0x6920] =	vst v0  }
0xe2: {  	[tilespmem:s26+$0x6930] =	vst v0  }
0xe3: {  	[tilespmem:s26+$0x6940] =	vst v0  }
0xe4: {  	[tilespmem:s26+$0x6950] =	vst v0  }
0xe5: {  	[tilespmem:s26+$0x6960] =	vst v0  }
0xe6: {  	[spmem:s29] =	stream.linear.scatter [tilespmem:s5], [sflag:$0x3], $0x2800, $0x38;
	[tilespmem:$0x1D100] =	vst v63  }
0xe7: {  	_ =	swait.ge [sflag:s6], $0x2800  }
0xe8: {  	[sflag:s6] =	ssyncset.done $0x0  }
0xe9: {  	[sflag:s6] =	ssyncadd.s32 $0xFFFFD800  }
0xea: {  	[spmem:s30] =	stream.linear.scatter [tilespmem:s5], [sflag:$0x3], $0x2800, $0x38;
	[tilespmem:$0x1D100] =	vst v63  }
0xeb: {  	_ =	swait.ge [sflag:s6], $0x2800  }
0xec: {  	[sflag:s6] =	ssyncset.done $0x0  }
0xed: {  	[sflag:s6] =	ssyncadd.s32 $0xFFFFD800  }
0xee: {  	[spmem:s31] =	stream.linear.scatter [tilespmem:s5], [sflag:$0x3], $0x2800, $0x38;
	[tilespmem:$0x1D100] =	vst v63  }
0xef: {  	_ =	swait.ge [sflag:s6], $0x2800  }
0xf0: {  	[sflag:s6] =	ssyncset.done $0x0  }
0xf1: {  	s3 =	smov.u32 s31;
	s31 =	rddreg [dreg:$0x19];
	[sflag:s6] =	ssyncadd.s32 $0xFFFFD800  }
0xf2: {  	[spmem:s31] =	stream.linear.scatter [tilespmem:s5], [sflag:$0x3], $0x2800, $0x38;
	[tilespmem:$0x1D100] =	vst v63  }
0xf3: {  	_ =	swait.ge [sflag:s6], $0x2800  }
0xf4: {  	[sflag:s6] =	ssyncset.done $0x0  }
0xf5: {  	s16 =	smov.u32 s29;
	s29 =	rddreg [dreg:$0x1a];
	[sflag:s6] =	ssyncadd.s32 $0xFFFFD800  }
0xf6: {  	[spmem:s29] =	stream.linear.scatter [tilespmem:s5], [sflag:$0x3], $0x2800, $0x38;
	[tilespmem:$0x1D100] =	vst v63  }
0xf7: {  	_ =	swait.ge [sflag:s6], $0x2800  }
0xf8: {  	[sflag:s6] =	ssyncset.done $0x0  }
0xf9: {  	s0 =	smov.u32 s30;
	s30 =	rddreg [dreg:$0x1b];
	[sflag:s6] =	ssyncadd.s32 $0xFFFFD800  }
0xfa: {  	[spmem:s30] =	stream.linear.scatter [tilespmem:s5], [sflag:$0x3], $0x2800, $0x38;
	[tilespmem:$0x1D100] =	vst v63  }
0xfb: {  	_ =	swait.ge [sflag:s6], $0x2800  }
0xfc: {  	[sflag:s6] =	ssyncset.done $0x0  }
0xfd: {  	s31 =	rddreg [dreg:$0x1c];
	[sflag:s6] =	ssyncadd.s32 $0xFFFFD800  }
0xfe: {  	[spmem:s31] =	stream.linear.scatter [tilespmem:s5], [sflag:$0x3], $0x2800, $0x38;
	[tilespmem:$0x1D100] =	vst v63  }
0xff: {  	_ =	swait.ge [sflag:s6], $0x2800  }
0x100: {  	[sflag:s6] =	ssyncset.done $0x0  }
0x101: {  	[sflag:s6] =	ssyncadd.s32 $0xFFFFD800  }
0x102: {  	[spmem:s4] =	stream.linear.scatter [tilespmem:s5], [sflag:$0x3], $0x2800, $0x38;
	[tilespmem:$0x1D100] =	vst v63  }
0x103: {  	_ =	swait.ge [sflag:s6], $0x2800  }
0x104: {  	[sflag:s6] =	ssyncset.done $0x0  }
0x105: {  	s29 =	simm.s32 $0x0;
	s28 =	rddreg [dreg:$0x15];
	[sflag:s6] =	ssyncadd.s32 $0xFFFFD800  }
0x106: {  	[tilespmem:s8], [sflag:$0x3] =	stream.linear.gather [hbm4b:s28+s29], $0x2800, $0x38;
	[tilespmem:$0x1D100] =	vst v63  }
0x107: {  	_ =	swait.ge [sflag:s6], $0x2800  }
0x108: {  	[sflag:s6] =	ssyncset.done $0x0  }
0x109: {  	[sflag:s6] =	ssyncadd.s32 $0xFFFFD800  }
0x10a: {  	s30 =	simm.s32 $0x100;
	[bflag:$0x0] =	sbarrier.arrive $0xFFFF  }
0x10b: {  	[spmem:s22] =	stream.indirect.scatter.add.f32 [tilespmem:s8], [sflag:$0x1], $0x80, s30, s7, $0xb8;
	[tilespmem:$0x1D100] =	vst v63  }
0x10c: {  	s31 =	simm.s32 $0x180  }
0x10d: {  	[spmem:s22] =	stream.indirect.scatter.add.f32 [tilespmem:s8], [sflag:$0x1], $0x80, s31, s7, $0xb8;
	[tilespmem:$0x1D100] =	vst v63  }
0x10e: {  	s29 =	simm.s32 $0x200  }
0x10f: {  	[spmem:s22] =	stream.indirect.scatter.add.f32 [tilespmem:s8], [sflag:$0x1], $0x80, s29, s7, $0xb8;
	[tilespmem:$0x1D100] =	vst v63  }
0x110: {  	s30 =	simm.s32 $0x280  }
0x111: {  	[spmem:s22] =	stream.indirect.scatter.add.f32 [tilespmem:s8], [sflag:$0x1], $0x80, s30, s7, $0xb8;
	[tilespmem:$0x1D100] =	vst v63  }
0x112: {  	s31 =	simm.s32 $0x300  }
0x113: {  	[spmem:s22] =	stream.indirect.scatter.add.f32 [tilespmem:s8], [sflag:$0x1], $0x80, s31, s7, $0xb8;
	[tilespmem:$0x1D100] =	vst v63  }
0x114: {  	_ =	swait.ge [sflag:s10], $0x2800  }
0x115: {  	[sflag:s10] =	ssyncset.done $0x0  }
0x116: {  	[sflag:s10] =	ssyncadd.s32 $0xFFFFD800  }
0x117: {  	_ =	swait.ge [sflag:s10], $0x2800  }
0x118: {  	[sflag:s10] =	ssyncset.done $0x0  }
0x119: {  	[sflag:s10] =	ssyncadd.s32 $0xFFFFD800  }
0x11a: {  	_ =	swait.ge [sflag:s10], $0x2800  }
0x11b: {  	[sflag:s10] =	ssyncset.done $0x0  }
0x11c: {  	[sflag:s10] =	ssyncadd.s32 $0xFFFFD800  }
0x11d: {  	_ =	swait.ge [sflag:s10], $0x2800  }
0x11e: {  	[sflag:s10] =	ssyncset.done $0x0  }
0x11f: {  	[sflag:s10] =	ssyncadd.s32 $0xFFFFD800  }
0x120: {  	_ =	swait.ge [sflag:s10], $0x2800  }
0x121: {  	s26 =	simm.s32 $0x280;
	s28 =	simm.s32 $0x1400;
	[sflag:s10] =	ssyncset.done $0x0  }
.LBB2_8:
0x122: {  	s29 =	sadd.s32 $0x100, s26  }
0x123: {  	[sflag:s10] =	ssyncadd.s32 $0xFFFFD800;
	s30 =	smov.u32 s28;
	s31 =	sadd.s32 $0xA00, s28  }
0x124: {  	[spmem:s22] =	stream.indirect.scatter.add.f32 [tilespmem:s8], [sflag:$0x1], $0x80, s29, s7, $0xb8;
	[tilespmem:$0x1D100] =	vst v63  }
0x125: {  	p0 =	sne.s32 s28, $0xF000;
	s28 =	sadd.s32 $0x180, s26  }
0x126: {  	[spmem:s22] =	stream.indirect.scatter.add.f32 [tilespmem:s8], [sflag:$0x1], $0x80, s28, s7, $0xb8;
	[tilespmem:$0x1D100] =	vst v63  }
0x127: {  	s28 =	sadd.s32 $0x200, s26  }
0x128: {  	[spmem:s22] =	stream.indirect.scatter.add.f32 [tilespmem:s8], [sflag:$0x1], $0x80, s28, s7, $0xb8;
	[tilespmem:$0x1D100] =	vst v63  }
0x129: {  	s28 =	sadd.s32 $0x280, s26  }
0x12a: {  	[spmem:s22] =	stream.indirect.scatter.add.f32 [tilespmem:s8], [sflag:$0x1], $0x80, s28, s7, $0xb8;
	[tilespmem:$0x1D100] =	vst v63  }
0x12b: {  	s26 =	sadd.s32 $0x300, s26  }
0x12c: {  	[spmem:s22] =	stream.indirect.scatter.add.f32 [tilespmem:s8], [sflag:$0x1], $0x80, s26, s7, $0xb8;
	[tilespmem:$0x1D100] =	vst v63  }
0x12d: {  	_ =	swait.ge [sflag:s10], $0x2800  }
0x12e: {  	[sflag:s10] =	ssyncset.done $0x0  }
0x12f: {  	[sflag:s10] =	ssyncadd.s32 $0xFFFFD800  }
0x130: {  	_ =	swait.ge [sflag:s10], $0x2800  }
0x131: {  	[sflag:s10] =	ssyncset.done $0x0  }
0x132: {  	[sflag:s10] =	ssyncadd.s32 $0xFFFFD800  }
0x133: {  	_ =	swait.ge [sflag:s10], $0x2800  }
0x134: {  	[sflag:s10] =	ssyncset.done $0x0  }
0x135: {  	[sflag:s10] =	ssyncadd.s32 $0xFFFFD800  }
.Ltmp3:
0x136: {  	_ =	swait.ge [sflag:s10], $0x2800;
	(pc) =	sbr.rel @p0 .LBB2_8-.Ltmp3, $4  }
0x137: {  	[sflag:s10] =	ssyncset.done $0x0  }
0x138: {  	[sflag:s10] =	ssyncadd.s32 $0xFFFFD800  }
0x139: {  	_ =	swait.ge [sflag:s10], $0x2800  }
0x13a: {  	s28 =	smov.u32 s31;
	s26 =	sshra.s32 s30, $0x2;
	[sflag:s10] =	ssyncset.done $0x0  }
0x13b: {  	s28 =	sadd.s32 $0x100, s26;
	[sflag:s10] =	ssyncadd.s32 $0xFFFFD800  }
0x13c: {  	[spmem:s22] =	stream.indirect.scatter.add.f32 [tilespmem:s8], [sflag:$0x1], $0x80, s28, s7, $0xb8;
	[tilespmem:$0x1D100] =	vst v63  }
0x13d: {  	s28 =	sadd.s32 $0x180, s26  }
0x13e: {  	[spmem:s22] =	stream.indirect.scatter.add.f32 [tilespmem:s8], [sflag:$0x1], $0x80, s28, s7, $0xb8;
	[tilespmem:$0x1D100] =	vst v63  }
0x13f: {  	s28 =	sadd.s32 $0x200, s26  }
0x140: {  	[spmem:s22] =	stream.indirect.scatter.add.f32 [tilespmem:s8], [sflag:$0x1], $0x80, s28, s7, $0xb8;
	[tilespmem:$0x1D100] =	vst v63  }
0x141: {  	s28 =	sadd.s32 $0x280, s26  }
0x142: {  	[spmem:s22] =	stream.indirect.scatter.add.f32 [tilespmem:s8], [sflag:$0x1], $0x80, s28, s7, $0xb8;
	[tilespmem:$0x1D100] =	vst v63  }
0x143: {  	s28 =	sadd.s32 $0x300, s26  }
0x144: {  	[spmem:s22] =	stream.indirect.scatter.add.f32 [tilespmem:s8], [sflag:$0x1], $0x80, s28, s7, $0xb8;
	[tilespmem:$0x1D100] =	vst v63  }
0x145: {  	_ =	swait.ge [sflag:s10], $0x2800  }
0x146: {  	[sflag:s10] =	ssyncset.done $0x0  }
0x147: {  	[sflag:s10] =	ssyncadd.s32 $0xFFFFD800  }
0x148: {  	_ =	swait.ge [sflag:s10], $0x2800  }
0x149: {  	[sflag:s10] =	ssyncset.done $0x0  }
0x14a: {  	[sflag:s10] =	ssyncadd.s32 $0xFFFFD800  }
0x14b: {  	_ =	swait.ge [sflag:s10], $0x2800  }
0x14c: {  	[sflag:s10] =	ssyncset.done $0x0  }
0x14d: {  	[sflag:s10] =	ssyncadd.s32 $0xFFFFD800  }
0x14e: {  	_ =	swait.ge [sflag:s10], $0x2800  }
0x14f: {  	[sflag:s10] =	ssyncset.done $0x0  }
0x150: {  	[sflag:s10] =	ssyncadd.s32 $0xFFFFD800  }
0x151: {  	_ =	swait.ge [sflag:s10], $0x2800  }
0x152: {  	[sflag:s10] =	ssyncset.done $0x0  }
0x153: {  	[sflag:s10] =	ssyncadd.s32 $0xFFFFD800  }
0x154: {  	[bflag:$0x0] =	sbarrier.arrive $0xFFFF  }
0x155: {  	s28 =	rddreg [dreg:$0x5]  }
0x156: {  	[hbm:s28], [sflag:s13] =	dma.local [spmem:s14], $0x500  }
0x157: {  	_ =	swait.ge [sflag:s6], $0x500  }
0x158: {  	[sflag:s6] =	ssyncset.done $0x0  }
0x159: {  	s28 =	rddreg [dreg:$0xe];
	[sflag:s6] =	ssyncadd.s32 $0xFFFFFB00  }
0x15a: {  	[hbm:s28], [sflag:s13] =	dma.local [spmem:s17], $0x500  }
0x15b: {  	_ =	swait.ge [sflag:s6], $0x500  }
0x15c: {  	[sflag:s6] =	ssyncset.done $0x0  }
0x15d: {  	s17 =	rddreg [dreg:$0xf];
	[sflag:s6] =	ssyncadd.s32 $0xFFFFFB00  }
0x15e: {  	[hbm:s17], [sflag:s13] =	dma.local [spmem:s18], $0x500  }
0x15f: {  	_ =	swait.ge [sflag:s6], $0x500  }
0x160: {  	[sflag:s6] =	ssyncset.done $0x0  }
0x161: {  	s18 =	rddreg [dreg:$0x10];
	[sflag:s6] =	ssyncadd.s32 $0xFFFFFB00  }
0x162: {  	[hbm:s18], [sflag:s13] =	dma.local [spmem:s20], $0x500  }
0x163: {  	_ =	swait.ge [sflag:s6], $0x500  }
0x164: {  	[sflag:s6] =	ssyncset.done $0x0  }
0x165: {  	s20 =	rddreg [dreg:$0x11];
	[sflag:s6] =	ssyncadd.s32 $0xFFFFFB00  }
0x166: {  	[hbm:s20], [sflag:s13] =	dma.local [spmem:s21], $0x500  }
0x167: {  	_ =	swait.ge [sflag:s6], $0x500  }
0x168: {  	[sflag:s6] =	ssyncset.done $0x0  }
0x169: {  	s21 =	rddreg [dreg:$0x12];
	[sflag:s6] =	ssyncadd.s32 $0xFFFFFB00  }
0x16a: {  	[hbm:s21], [sflag:s13] =	dma.local [spmem:s23], $0x500  }
0x16b: {  	_ =	swait.ge [sflag:s6], $0x500  }
0x16c: {  	[sflag:s6] =	ssyncset.done $0x0  }
0x16d: {  	s23 =	rddreg [dreg:$0x13];
	[sflag:s6] =	ssyncadd.s32 $0xFFFFFB00  }
0x16e: {  	[hbm:s23], [sflag:s13] =	dma.local [spmem:s24], $0x500  }
0x16f: {  	_ =	swait.ge [sflag:s6], $0x500  }
0x170: {  	[sflag:s6] =	ssyncset.done $0x0  }
0x171: {  	s26 =	rddreg [dreg:$0x14];
	[sflag:s6] =	ssyncadd.s32 $0xFFFFFB00  }
0x172: {  	[hbm:s26], [sflag:s13] =	dma.local [spmem:s25], $0x500  }
0x173: {  	_ =	swait.ge [sflag:s6], $0x500  }
0x174: {  	s12 =	sadd.s32 $0x1, s12;
	s28 =	rddreg [dreg:$0x18]  }
0x175: {  	p0 =	sne.s32 s12, s28  }
.Ltmp4:
0x176: {  	_ = 	snop;
	(pc) =	sbr.rel @p0 .LBB2_1-.Ltmp4, $3  }
0x177: {  	_ =	sdelay $0x1  }
0x178: {  	s29 =	smov.u32 s16;
	[sflag:s6] =	ssyncset.done $0x0  }
0x179: {  	s30 =	smov.u32 s0;
	s31 =	smov.u32 s3;
	[sflag:s6] =	ssyncadd.s32 $0xFFFFFB00  }
0x17a: {  	_ =	sfence.sel $0x180000  }
0x17b: {  	[bflag:$0x0] =	sbarrier.arrive $0xFFFF  }
0x17c: {  	_ =	strace $0x90000047  }
0x17d: {  	s0 =	stileid.u32;
	[bflag:$0x2] =	sbarrier.arrive $0xFFFF  }
0x17e: {  	p0 =	sne.s32 s0, $0x0;
	s0 =	rddreg [dreg:$0x4]  }
0x17f: {  	s0 =	sadd.s32 @!p0 $0x100000, s0  }
0x180: {  	[sflag:s0] =	ssyncadd.tile.s32 @!p0 $0x1;
	_ =	shalt  }
.Lfunc_end2:
_tile_overlayer_lowered:
.L_overlay_start_2:
0x181: {  	(tag) =	ssettag $0x2  }
0x182: {  	s0 =	rddreg [dreg:$0x0];
	s2 =	stileid.u32  }
0x183: {  	s1 =	rddreg [dreg:$0x1];
	p0 =	sne.s32 s2, $0x0  }
0x184: {  	s3 =	rddreg [dreg:$0x2];
	[bflag:$0x3] =	sbarrier.arrive $0xFFFF;
	s2 =	simm.s32 @!p0 $0x1C03  }
0x185: {  	[timem:s3], [sflag:s2] =	dma.local @!p0 [hbm:s0], s1  }
0x186: {  	s0 =	simm.s32 @!p0 $0x3  }
0x187: {  	_ =	swait.ge @!p0 [sflag:s0], s1  }
0x188: {  	s1 =	ssub.s32 @!p0 $0x0, s1;
	[sflag:s0] =	ssyncset.done @!p0 $0x0  }
0x189: {  	[sflag:s0] =	ssyncadd.s32 @!p0 s1  }
0x18a: {  	[bflag:$0x3] =	sbarrier.arrive $0xFFFF  }
0x18b: {  	_ =	shalt  }

</sc_bundles>
